<compile_context>
chip_gen: v7x
topology: tpu7x:2x2x1
jax: 0.10.2.dev20260603
libtpu: 0.0.44.dev20260713+nightly
codegen_flags: <defaults>
</compile_context>

<pallas_src>
import functools

import jax
import jax.numpy as jnp
from jax import lax
from jax.experimental import pallas as pl
from jax.experimental.pallas import tpu as pltpu
from jax.experimental.pallas import tpu_sc as plsc

Q = 1024
D = 32
K = 5
C = 10
BN = 2048
INF = float("inf")

_NW = 32
_QW = Q // _NW
_NG = _QW // 16


def _body(n_total, n_blocks, x_ref, f_ref, lab_ref, d_out, l_out,
          run_d, run_p):
    g = pl.program_id(0)

    @pl.when(g == 0)
    def _init():
        run_d[:] = jnp.full((Q, 16), INF, jnp.float32)
        run_p[:] = jnp.full((Q, 16), INF, jnp.float32)

    xx = x_ref[:]
    xn = jnp.sum(xx * xx, axis=1, keepdims=True)
    f = f_ref[:]
    yn = jnp.sum(f * f, axis=1).reshape(1, BN)
    col = lax.broadcasted_iota(jnp.int32, (1, BN), 1)
    gcol = g * BN + col
    yn = jnp.where(gcol < n_total, yn, INF)
    prod = lax.dot_general(xx, f, (((1,), (1,)), ((), ())),
                           preferred_element_type=jnp.float32)
    d = jnp.maximum(xn + yn - 2.0 * prod, 0.0)

    lab = lab_ref[0]
    pk = (gcol * 16 + lab).astype(jnp.float32)

    bw_d, bw_p = [], []
    for j in range(K):
        m = jnp.min(d, axis=1, keepdims=True)
        sel = jnp.min(jnp.where(d == m, pk, INF),
                      axis=1, keepdims=True)
        bw_d.append(m)
        bw_p.append(sel)
        if j < K - 1:
            d = jnp.where(pk == sel, INF, d)

    inf1 = jnp.full((Q, 1), INF, jnp.float32)
    cd = jnp.concatenate([run_d[:, :8]] + bw_d + [inf1] * 3, axis=1)
    cp = jnp.concatenate([run_p[:, :8]] + bw_p + [inf1] * 3, axis=1)
    n_d, n_p = [], []
    for j in range(K):
        m = jnp.min(cd, axis=1, keepdims=True)
        sel = jnp.min(jnp.where(cd == m, cp, INF), axis=1, keepdims=True)
        n_d.append(m)
        n_p.append(sel)
        if j < K - 1:
            cd = jnp.where(cp == sel, INF, cd)
    run_d[:] = jnp.concatenate(n_d + [inf1] * 11, axis=1)
    run_p[:] = jnp.concatenate(n_p + [inf1] * 11, axis=1)

    @pl.when(g == n_blocks - 1)
    def _finish():
        dist = [jnp.sqrt(v) for v in n_d]
        labf = [(p.astype(jnp.int32) & 15).astype(jnp.float32) for p in n_p]
        zero1 = jnp.zeros((Q, 1), jnp.float32)
        d_out[:] = jnp.concatenate(dist + [zero1] * 11, axis=1)
        l_out[:] = jnp.concatenate(labf + [zero1] * 11, axis=1)


def _sc_combine(d_hbm, l_hbm, out_hbm, d_v, l_v, o_v):
    wid = lax.axis_index("s") * 2 + lax.axis_index("c")
    qbase = wid * _QW
    for j in range(K):
        pltpu.sync_copy(d_hbm.at[pl.ds(j * Q + qbase, _QW)],
                        d_v.at[pl.ds(j * _QW, _QW)])
        pltpu.sync_copy(l_hbm.at[pl.ds(j * Q + qbase, _QW)],
                        l_v.at[pl.ds(j * _QW, _QW)])
    def per_group(grp, carry):
        o16 = grp * 16
        ds = [d_v[pl.ds(j * _QW + o16, 16)] for j in range(K)]
        mn = ds[0]
        es = [jnp.exp(mn - dj) for dj in ds]
        tot = es[0] + es[1] + es[2] + es[3] + es[4]
        ws = [e / tot for e in es]
        ls = [l_v[pl.ds(j * _QW + o16, 16)] for j in range(K)]
        for c in range(C):
            oc = jnp.zeros((16,), jnp.float32)
            for j in range(K):
                oc = oc + jnp.where(ls[j] == float(c), ws[j], 0.0)
            o_v[pl.ds(c * _QW + o16, 16)] = oc
        return carry

    lax.fori_loop(0, _NG, per_group, 0)
    for c in range(C):
        pltpu.sync_copy(o_v.at[pl.ds(c * _QW, _QW)],
                        out_hbm.at[pl.ds(c * Q + qbase, _QW)])


def kernel(x, train_features, train_labels):
    n = train_features.shape[0]
    g = -(-n // BN)
    npad = g * BN
    f = jnp.pad(train_features, ((0, npad - n), (0, 0)))
    labs = jnp.pad(train_labels, (0, npad - n)).reshape(g, 1, BN)

    cand_d, cand_l = pl.pallas_call(
        functools.partial(_body, n, g),
        grid=(g,),
        in_specs=[
            pl.BlockSpec((Q, D), lambda i: (0, 0)),
            pl.BlockSpec((BN, D), lambda i: (i, 0)),
            pl.BlockSpec((1, 1, BN), lambda i: (i, 0, 0)),
        ],
        out_specs=[
            pl.BlockSpec((Q, 16), lambda i: (0, 0)),
            pl.BlockSpec((Q, 16), lambda i: (0, 0)),
        ],
        out_shape=[
            jax.ShapeDtypeStruct((Q, 16), jnp.float32),
            jax.ShapeDtypeStruct((Q, 16), jnp.float32),
        ],
        scratch_shapes=[
            pltpu.VMEM((Q, 16), jnp.float32),
            pltpu.VMEM((Q, 16), jnp.float32),
        ],
        compiler_params=pltpu.CompilerParams(
            dimension_semantics=("arbitrary",),
        ),
    )(x, f, labs)

    d_t = cand_d[:, :K].T.reshape(K * Q)
    l_t = cand_l[:, :K].T.reshape(K * Q)

    mesh = plsc.VectorSubcoreMesh(core_axis_name="c", subcore_axis_name="s")
    outcm = functools.partial(
        pl.kernel, mesh=mesh,
        out_type=jax.ShapeDtypeStruct((C * Q,), jnp.float32),
        scratch_types=[
            pltpu.VMEM((K * _QW,), jnp.float32),
            pltpu.VMEM((K * _QW,), jnp.float32),
            pltpu.VMEM((C * _QW,), jnp.float32),
        ],
    )(_sc_combine)(d_t, l_t)

    return outcm.reshape(C, Q).T

# --- scband reference (transcript-rebuilt; emitter-appended) ---
"""Pipeline reference for scband-soft-knn-9904194584583 (READ-ONLY COPY).

The authoritative reference and input builder live on the scoring server;
editing this copy changes nothing except your own understanding.
"""

import jax, jax.numpy as jnp
import numpy as np

N_NEIGHBORS = 5
TEMPERATURE = 1.0


def setup_inputs(seed: int = 0) -> dict:
    key = jax.random.key(seed)
    k1, k2, k3 = jax.random.split(key, 3)
    x = jax.random.normal(k1, (1024, 32), dtype=jnp.float32)
    train_features = jax.random.normal(k2, (100000, 32), dtype=jnp.float32)
    train_labels = jax.random.randint(k3, (100000,), 0, 10, dtype=jnp.int32)
    return {"x": x, "train_features": train_features, "train_labels": train_labels}


def reference(x, train_features, train_labels):
    # pairwise Euclidean distances (clamped, sqrt) -- mirrors compute_distances
    x_norm = jnp.sum(x ** 2, axis=1).reshape(-1, 1)
    y_norm = jnp.sum(train_features ** 2, axis=1).reshape(1, -1)
    dist2 = x_norm + y_norm - 2.0 * jnp.matmul(x, train_features.T)
    distances = jnp.sqrt(jnp.clip(dist2, 0.0, None))
    # smallest-k via top_k on negated distances (torch.topk largest=False)
    _, indices = jax.lax.top_k(-distances, N_NEIGHBORS)  # [Q, k]
    neighbor_labels = jnp.take(train_labels, indices, axis=0)  # [Q, k]
    n_classes = 10
    one_hot = jax.nn.one_hot(neighbor_labels, n_classes, dtype=x.dtype)  # [Q, k, C]
    dist_sel = jnp.take_along_axis(distances, indices, axis=1)  # [Q, k]
    weights = jax.nn.softmax(-dist_sel / TEMPERATURE, axis=1)  # [Q, k]
    output = jnp.sum(weights[:, :, None] * one_hot, axis=1)  # [Q, C]
    return output

if __name__ == "__main__":
    import jax
    _d = setup_inputs()
    print(jax.jit(kernel)(*tuple(_d.values())))

</pallas_src>

<mosaic_0001>
#map = affine_map<(d0, d1) -> (0)>
module attributes {stable_mosaic.version = 14 : i64} {
  func.func @_sc_combine(%arg0: i32, %arg1: i32, %arg2: memref<5120xf32, #tpu.memory_space<hbm>>, %arg3: memref<5120xf32, #tpu.memory_space<hbm>>, %arg4: memref<10240xf32, #tpu.memory_space<hbm>>, %arg5: memref<160xf32, #tpu.memory_space<vmem>>, %arg6: memref<160xf32, #tpu.memory_space<vmem>>, %arg7: memref<320xf32, #tpu.memory_space<vmem>>) attributes {dimension_semantics = [#tpu.dimension_semantics<core_parallel>, #tpu.dimension_semantics<subcore_parallel>], iteration_bounds = array<i64: 2, 16>, scalar_prefetch = 0 : i64, scratch_operands = 3 : i64, tpu.core_type = #tpu.core_type<sc_vector_subcore>, window_params = [{transform_indices = #map}, {transform_indices = #map}, {transform_indices = #map}]} {
    %mul3A = arith.constant 2 : i32
    %mul3A_0 = arith.muli %arg1, %mul3A : i32
    %add3A = arith.addi %mul3A_0, %arg0 : i32
    %mul3A_1 = arith.constant 32 : i32
    %mul3A_2 = arith.muli %add3A, %mul3A_1 : i32
    %add3A_3 = arith.constant 0 : i32
    %add3A_4 = arith.addi %add3A_3, %mul3A_2 : i32
    "tpu.region"() ({
      %run_scoped3A = tpu.sem_alloc : memref<!tpu.dma_semaphore, #tpu.memory_space<semaphore_mem>>
      %dma_start3A = arith.constant 0 : i32
      %dma_start3A_48 = tpu.memref_slice %arg5[%dma_start3A] : memref<160xf32, #tpu.memory_space<vmem>> -> memref<32xf32, #tpu.memory_space<vmem>>
      %dma_start3A_49 = tpu.memref_slice %arg2[%add3A_4] : memref<5120xf32, #tpu.memory_space<hbm>> -> memref<32xf32, #tpu.memory_space<hbm>>
      %dma_start3A_50 = arith.constant 0 : i32
      %dma_start3A_51 = tpu.memref_slice %arg5[%dma_start3A_50] : memref<160xf32, #tpu.memory_space<vmem>> -> memref<32xf32, #tpu.memory_space<vmem>>
      %dma_start3A_52 = tpu.memref_slice %arg2[%add3A_4] : memref<5120xf32, #tpu.memory_space<hbm>> -> memref<32xf32, #tpu.memory_space<hbm>>
      tpu.enqueue_dma source(%dma_start3A_52 : memref<32xf32, #tpu.memory_space<hbm>>) target(%dma_start3A_51 : memref<32xf32, #tpu.memory_space<vmem>>) target_semaphore(%run_scoped3A : memref<!tpu.dma_semaphore, #tpu.memory_space<semaphore_mem>>)
      %dma_wait3A = arith.constant 0 : i32
      %dma_wait3A_53 = tpu.memref_slice %arg5[%dma_wait3A] : memref<160xf32, #tpu.memory_space<vmem>> -> memref<32xf32, #tpu.memory_space<vmem>>
      %dma_wait3A_54 = tpu.memref_slice %arg2[%add3A_4] : memref<5120xf32, #tpu.memory_space<hbm>> -> memref<32xf32, #tpu.memory_space<hbm>>
      %dma_wait3A_55 = arith.constant 0 : i32
      %dma_wait3A_56 = tpu.memref_slice %arg5[%dma_wait3A_55] : memref<160xf32, #tpu.memory_space<vmem>> -> memref<32xf32, #tpu.memory_space<vmem>>
      %dma_wait3A_57 = tpu.memref_slice %arg2[%add3A_4] : memref<5120xf32, #tpu.memory_space<hbm>> -> memref<32xf32, #tpu.memory_space<hbm>>
      tpu.wait_dma2 semaphore(%run_scoped3A : memref<!tpu.dma_semaphore, #tpu.memory_space<semaphore_mem>>) src(%dma_wait3A_57 : memref<32xf32, #tpu.memory_space<hbm>>) dst(%dma_wait3A_56 : memref<32xf32, #tpu.memory_space<vmem>>)
      tpu.yield
    }) : () -> ()
    %add3A_5 = arith.constant 0 : i32
    %add3A_6 = arith.addi %add3A_5, %mul3A_2 : i32
    "tpu.region"() ({
      %run_scoped3A = tpu.sem_alloc : memref<!tpu.dma_semaphore, #tpu.memory_space<semaphore_mem>>
      %dma_start3A = arith.constant 0 : i32
      %dma_start3A_48 = tpu.memref_slice %arg6[%dma_start3A] : memref<160xf32, #tpu.memory_space<vmem>> -> memref<32xf32, #tpu.memory_space<vmem>>
      %dma_start3A_49 = tpu.memref_slice %arg3[%add3A_6] : memref<5120xf32, #tpu.memory_space<hbm>> -> memref<32xf32, #tpu.memory_space<hbm>>
      %dma_start3A_50 = arith.constant 0 : i32
      %dma_start3A_51 = tpu.memref_slice %arg6[%dma_start3A_50] : memref<160xf32, #tpu.memory_space<vmem>> -> memref<32xf32, #tpu.memory_space<vmem>>
      %dma_start3A_52 = tpu.memref_slice %arg3[%add3A_6] : memref<5120xf32, #tpu.memory_space<hbm>> -> memref<32xf32, #tpu.memory_space<hbm>>
      tpu.enqueue_dma source(%dma_start3A_52 : memref<32xf32, #tpu.memory_space<hbm>>) target(%dma_start3A_51 : memref<32xf32, #tpu.memory_space<vmem>>) target_semaphore(%run_scoped3A : memref<!tpu.dma_semaphore, #tpu.memory_space<semaphore_mem>>)
      %dma_wait3A = arith.constant 0 : i32
      %dma_wait3A_53 = tpu.memref_slice %arg6[%dma_wait3A] : memref<160xf32, #tpu.memory_space<vmem>> -> memref<32xf32, #tpu.memory_space<vmem>>
      %dma_wait3A_54 = tpu.memref_slice %arg3[%add3A_6] : memref<5120xf32, #tpu.memory_space<hbm>> -> memref<32xf32, #tpu.memory_space<hbm>>
      %dma_wait3A_55 = arith.constant 0 : i32
      %dma_wait3A_56 = tpu.memref_slice %arg6[%dma_wait3A_55] : memref<160xf32, #tpu.memory_space<vmem>> -> memref<32xf32, #tpu.memory_space<vmem>>
      %dma_wait3A_57 = tpu.memref_slice %arg3[%add3A_6] : memref<5120xf32, #tpu.memory_space<hbm>> -> memref<32xf32, #tpu.memory_space<hbm>>
      tpu.wait_dma2 semaphore(%run_scoped3A : memref<!tpu.dma_semaphore, #tpu.memory_space<semaphore_mem>>) src(%dma_wait3A_57 : memref<32xf32, #tpu.memory_space<hbm>>) dst(%dma_wait3A_56 : memref<32xf32, #tpu.memory_space<vmem>>)
      tpu.yield
    }) : () -> ()
    %add3A_7 = arith.constant 1024 : i32
    %add3A_8 = arith.addi %add3A_7, %mul3A_2 : i32
    "tpu.region"() ({
      %run_scoped3A = tpu.sem_alloc : memref<!tpu.dma_semaphore, #tpu.memory_space<semaphore_mem>>
      %dma_start3A = arith.constant 32 : i32
      %dma_start3A_48 = tpu.memref_slice %arg5[%dma_start3A] : memref<160xf32, #tpu.memory_space<vmem>> -> memref<32xf32, #tpu.memory_space<vmem>>
      %dma_start3A_49 = tpu.memref_slice %arg2[%add3A_8] : memref<5120xf32, #tpu.memory_space<hbm>> -> memref<32xf32, #tpu.memory_space<hbm>>
      %dma_start3A_50 = arith.constant 32 : i32
      %dma_start3A_51 = tpu.memref_slice %arg5[%dma_start3A_50] : memref<160xf32, #tpu.memory_space<vmem>> -> memref<32xf32, #tpu.memory_space<vmem>>
      %dma_start3A_52 = tpu.memref_slice %arg2[%add3A_8] : memref<5120xf32, #tpu.memory_space<hbm>> -> memref<32xf32, #tpu.memory_space<hbm>>
      tpu.enqueue_dma source(%dma_start3A_52 : memref<32xf32, #tpu.memory_space<hbm>>) target(%dma_start3A_51 : memref<32xf32, #tpu.memory_space<vmem>>) target_semaphore(%run_scoped3A : memref<!tpu.dma_semaphore, #tpu.memory_space<semaphore_mem>>)
      %dma_wait3A = arith.constant 32 : i32
      %dma_wait3A_53 = tpu.memref_slice %arg5[%dma_wait3A] : memref<160xf32, #tpu.memory_space<vmem>> -> memref<32xf32, #tpu.memory_space<vmem>>
      %dma_wait3A_54 = tpu.memref_slice %arg2[%add3A_8] : memref<5120xf32, #tpu.memory_space<hbm>> -> memref<32xf32, #tpu.memory_space<hbm>>
      %dma_wait3A_55 = arith.constant 32 : i32
      %dma_wait3A_56 = tpu.memref_slice %arg5[%dma_wait3A_55] : memref<160xf32, #tpu.memory_space<vmem>> -> memref<32xf32, #tpu.memory_space<vmem>>
      %dma_wait3A_57 = tpu.memref_slice %arg2[%add3A_8] : memref<5120xf32, #tpu.memory_space<hbm>> -> memref<32xf32, #tpu.memory_space<hbm>>
      tpu.wait_dma2 semaphore(%run_scoped3A : memref<!tpu.dma_semaphore, #tpu.memory_space<semaphore_mem>>) src(%dma_wait3A_57 : memref<32xf32, #tpu.memory_space<hbm>>) dst(%dma_wait3A_56 : memref<32xf32, #tpu.memory_space<vmem>>)
      tpu.yield
    }) : () -> ()
    %add3A_9 = arith.constant 1024 : i32
    %add3A_10 = arith.addi %add3A_9, %mul3A_2 : i32
    "tpu.region"() ({
      %run_scoped3A = tpu.sem_alloc : memref<!tpu.dma_semaphore, #tpu.memory_space<semaphore_mem>>
      %dma_start3A = arith.constant 32 : i32
      %dma_start3A_48 = tpu.memref_slice %arg6[%dma_start3A] : memref<160xf32, #tpu.memory_space<vmem>> -> memref<32xf32, #tpu.memory_space<vmem>>
      %dma_start3A_49 = tpu.memref_slice %arg3[%add3A_10] : memref<5120xf32, #tpu.memory_space<hbm>> -> memref<32xf32, #tpu.memory_space<hbm>>
      %dma_start3A_50 = arith.constant 32 : i32
      %dma_start3A_51 = tpu.memref_slice %arg6[%dma_start3A_50] : memref<160xf32, #tpu.memory_space<vmem>> -> memref<32xf32, #tpu.memory_space<vmem>>
      %dma_start3A_52 = tpu.memref_slice %arg3[%add3A_10] : memref<5120xf32, #tpu.memory_space<hbm>> -> memref<32xf32, #tpu.memory_space<hbm>>
      tpu.enqueue_dma source(%dma_start3A_52 : memref<32xf32, #tpu.memory_space<hbm>>) target(%dma_start3A_51 : memref<32xf32, #tpu.memory_space<vmem>>) target_semaphore(%run_scoped3A : memref<!tpu.dma_semaphore, #tpu.memory_space<semaphore_mem>>)
      %dma_wait3A = arith.constant 32 : i32
      %dma_wait3A_53 = tpu.memref_slice %arg6[%dma_wait3A] : memref<160xf32, #tpu.memory_space<vmem>> -> memref<32xf32, #tpu.memory_space<vmem>>
      %dma_wait3A_54 = tpu.memref_slice %arg3[%add3A_10] : memref<5120xf32, #tpu.memory_space<hbm>> -> memref<32xf32, #tpu.memory_space<hbm>>
      %dma_wait3A_55 = arith.constant 32 : i32
      %dma_wait3A_56 = tpu.memref_slice %arg6[%dma_wait3A_55] : memref<160xf32, #tpu.memory_space<vmem>> -> memref<32xf32, #tpu.memory_space<vmem>>
      %dma_wait3A_57 = tpu.memref_slice %arg3[%add3A_10] : memref<5120xf32, #tpu.memory_space<hbm>> -> memref<32xf32, #tpu.memory_space<hbm>>
      tpu.wait_dma2 semaphore(%run_scoped3A : memref<!tpu.dma_semaphore, #tpu.memory_space<semaphore_mem>>) src(%dma_wait3A_57 : memref<32xf32, #tpu.memory_space<hbm>>) dst(%dma_wait3A_56 : memref<32xf32, #tpu.memory_space<vmem>>)
      tpu.yield
    }) : () -> ()
    %add3A_11 = arith.constant 2048 : i32
    %add3A_12 = arith.addi %add3A_11, %mul3A_2 : i32
    "tpu.region"() ({
      %run_scoped3A = tpu.sem_alloc : memref<!tpu.dma_semaphore, #tpu.memory_space<semaphore_mem>>
      %dma_start3A = arith.constant 64 : i32
      %dma_start3A_48 = tpu.memref_slice %arg5[%dma_start3A] : memref<160xf32, #tpu.memory_space<vmem>> -> memref<32xf32, #tpu.memory_space<vmem>>
      %dma_start3A_49 = tpu.memref_slice %arg2[%add3A_12] : memref<5120xf32, #tpu.memory_space<hbm>> -> memref<32xf32, #tpu.memory_space<hbm>>
      %dma_start3A_50 = arith.constant 64 : i32
      %dma_start3A_51 = tpu.memref_slice %arg5[%dma_start3A_50] : memref<160xf32, #tpu.memory_space<vmem>> -> memref<32xf32, #tpu.memory_space<vmem>>
      %dma_start3A_52 = tpu.memref_slice %arg2[%add3A_12] : memref<5120xf32, #tpu.memory_space<hbm>> -> memref<32xf32, #tpu.memory_space<hbm>>
      tpu.enqueue_dma source(%dma_start3A_52 : memref<32xf32, #tpu.memory_space<hbm>>) target(%dma_start3A_51 : memref<32xf32, #tpu.memory_space<vmem>>) target_semaphore(%run_scoped3A : memref<!tpu.dma_semaphore, #tpu.memory_space<semaphore_mem>>)
      %dma_wait3A = arith.constant 64 : i32
      %dma_wait3A_53 = tpu.memref_slice %arg5[%dma_wait3A] : memref<160xf32, #tpu.memory_space<vmem>> -> memref<32xf32, #tpu.memory_space<vmem>>
      %dma_wait3A_54 = tpu.memref_slice %arg2[%add3A_12] : memref<5120xf32, #tpu.memory_space<hbm>> -> memref<32xf32, #tpu.memory_space<hbm>>
      %dma_wait3A_55 = arith.constant 64 : i32
      %dma_wait3A_56 = tpu.memref_slice %arg5[%dma_wait3A_55] : memref<160xf32, #tpu.memory_space<vmem>> -> memref<32xf32, #tpu.memory_space<vmem>>
      %dma_wait3A_57 = tpu.memref_slice %arg2[%add3A_12] : memref<5120xf32, #tpu.memory_space<hbm>> -> memref<32xf32, #tpu.memory_space<hbm>>
      tpu.wait_dma2 semaphore(%run_scoped3A : memref<!tpu.dma_semaphore, #tpu.memory_space<semaphore_mem>>) src(%dma_wait3A_57 : memref<32xf32, #tpu.memory_space<hbm>>) dst(%dma_wait3A_56 : memref<32xf32, #tpu.memory_space<vmem>>)
      tpu.yield
    }) : () -> ()
    %add3A_13 = arith.constant 2048 : i32
    %add3A_14 = arith.addi %add3A_13, %mul3A_2 : i32
    "tpu.region"() ({
      %run_scoped3A = tpu.sem_alloc : memref<!tpu.dma_semaphore, #tpu.memory_space<semaphore_mem>>
      %dma_start3A = arith.constant 64 : i32
      %dma_start3A_48 = tpu.memref_slice %arg6[%dma_start3A] : memref<160xf32, #tpu.memory_space<vmem>> -> memref<32xf32, #tpu.memory_space<vmem>>
      %dma_start3A_49 = tpu.memref_slice %arg3[%add3A_14] : memref<5120xf32, #tpu.memory_space<hbm>> -> memref<32xf32, #tpu.memory_space<hbm>>
      %dma_start3A_50 = arith.constant 64 : i32
      %dma_start3A_51 = tpu.memref_slice %arg6[%dma_start3A_50] : memref<160xf32, #tpu.memory_space<vmem>> -> memref<32xf32, #tpu.memory_space<vmem>>
      %dma_start3A_52 = tpu.memref_slice %arg3[%add3A_14] : memref<5120xf32, #tpu.memory_space<hbm>> -> memref<32xf32, #tpu.memory_space<hbm>>
      tpu.enqueue_dma source(%dma_start3A_52 : memref<32xf32, #tpu.memory_space<hbm>>) target(%dma_start3A_51 : memref<32xf32, #tpu.memory_space<vmem>>) target_semaphore(%run_scoped3A : memref<!tpu.dma_semaphore, #tpu.memory_space<semaphore_mem>>)
      %dma_wait3A = arith.constant 64 : i32
      %dma_wait3A_53 = tpu.memref_slice %arg6[%dma_wait3A] : memref<160xf32, #tpu.memory_space<vmem>> -> memref<32xf32, #tpu.memory_space<vmem>>
      %dma_wait3A_54 = tpu.memref_slice %arg3[%add3A_14] : memref<5120xf32, #tpu.memory_space<hbm>> -> memref<32xf32, #tpu.memory_space<hbm>>
      %dma_wait3A_55 = arith.constant 64 : i32
      %dma_wait3A_56 = tpu.memref_slice %arg6[%dma_wait3A_55] : memref<160xf32, #tpu.memory_space<vmem>> -> memref<32xf32, #tpu.memory_space<vmem>>
      %dma_wait3A_57 = tpu.memref_slice %arg3[%add3A_14] : memref<5120xf32, #tpu.memory_space<hbm>> -> memref<32xf32, #tpu.memory_space<hbm>>
      tpu.wait_dma2 semaphore(%run_scoped3A : memref<!tpu.dma_semaphore, #tpu.memory_space<semaphore_mem>>) src(%dma_wait3A_57 : memref<32xf32, #tpu.memory_space<hbm>>) dst(%dma_wait3A_56 : memref<32xf32, #tpu.memory_space<vmem>>)
      tpu.yield
    }) : () -> ()
    %add3A_15 = arith.constant 3072 : i32
    %add3A_16 = arith.addi %add3A_15, %mul3A_2 : i32
    "tpu.region"() ({
      %run_scoped3A = tpu.sem_alloc : memref<!tpu.dma_semaphore, #tpu.memory_space<semaphore_mem>>
      %dma_start3A = arith.constant 96 : i32
      %dma_start3A_48 = tpu.memref_slice %arg5[%dma_start3A] : memref<160xf32, #tpu.memory_space<vmem>> -> memref<32xf32, #tpu.memory_space<vmem>>
      %dma_start3A_49 = tpu.memref_slice %arg2[%add3A_16] : memref<5120xf32, #tpu.memory_space<hbm>> -> memref<32xf32, #tpu.memory_space<hbm>>
      %dma_start3A_50 = arith.constant 96 : i32
      %dma_start3A_51 = tpu.memref_slice %arg5[%dma_start3A_50] : memref<160xf32, #tpu.memory_space<vmem>> -> memref<32xf32, #tpu.memory_space<vmem>>
      %dma_start3A_52 = tpu.memref_slice %arg2[%add3A_16] : memref<5120xf32, #tpu.memory_space<hbm>> -> memref<32xf32, #tpu.memory_space<hbm>>
      tpu.enqueue_dma source(%dma_start3A_52 : memref<32xf32, #tpu.memory_space<hbm>>) target(%dma_start3A_51 : memref<32xf32, #tpu.memory_space<vmem>>) target_semaphore(%run_scoped3A : memref<!tpu.dma_semaphore, #tpu.memory_space<semaphore_mem>>)
      %dma_wait3A = arith.constant 96 : i32
      %dma_wait3A_53 = tpu.memref_slice %arg5[%dma_wait3A] : memref<160xf32, #tpu.memory_space<vmem>> -> memref<32xf32, #tpu.memory_space<vmem>>
      %dma_wait3A_54 = tpu.memref_slice %arg2[%add3A_16] : memref<5120xf32, #tpu.memory_space<hbm>> -> memref<32xf32, #tpu.memory_space<hbm>>
      %dma_wait3A_55 = arith.constant 96 : i32
      %dma_wait3A_56 = tpu.memref_slice %arg5[%dma_wait3A_55] : memref<160xf32, #tpu.memory_space<vmem>> -> memref<32xf32, #tpu.memory_space<vmem>>
      %dma_wait3A_57 = tpu.memref_slice %arg2[%add3A_16] : memref<5120xf32, #tpu.memory_space<hbm>> -> memref<32xf32, #tpu.memory_space<hbm>>
      tpu.wait_dma2 semaphore(%run_scoped3A : memref<!tpu.dma_semaphore, #tpu.memory_space<semaphore_mem>>) src(%dma_wait3A_57 : memref<32xf32, #tpu.memory_space<hbm>>) dst(%dma_wait3A_56 : memref<32xf32, #tpu.memory_space<vmem>>)
      tpu.yield
    }) : () -> ()
    %add3A_17 = arith.constant 3072 : i32
    %add3A_18 = arith.addi %add3A_17, %mul3A_2 : i32
    "tpu.region"() ({
      %run_scoped3A = tpu.sem_alloc : memref<!tpu.dma_semaphore, #tpu.memory_space<semaphore_mem>>
      %dma_start3A = arith.constant 96 : i32
      %dma_start3A_48 = tpu.memref_slice %arg6[%dma_start3A] : memref<160xf32, #tpu.memory_space<vmem>> -> memref<32xf32, #tpu.memory_space<vmem>>
      %dma_start3A_49 = tpu.memref_slice %arg3[%add3A_18] : memref<5120xf32, #tpu.memory_space<hbm>> -> memref<32xf32, #tpu.memory_space<hbm>>
      %dma_start3A_50 = arith.constant 96 : i32
      %dma_start3A_51 = tpu.memref_slice %arg6[%dma_start3A_50] : memref<160xf32, #tpu.memory_space<vmem>> -> memref<32xf32, #tpu.memory_space<vmem>>
      %dma_start3A_52 = tpu.memref_slice %arg3[%add3A_18] : memref<5120xf32, #tpu.memory_space<hbm>> -> memref<32xf32, #tpu.memory_space<hbm>>
      tpu.enqueue_dma source(%dma_start3A_52 : memref<32xf32, #tpu.memory_space<hbm>>) target(%dma_start3A_51 : memref<32xf32, #tpu.memory_space<vmem>>) target_semaphore(%run_scoped3A : memref<!tpu.dma_semaphore, #tpu.memory_space<semaphore_mem>>)
      %dma_wait3A = arith.constant 96 : i32
      %dma_wait3A_53 = tpu.memref_slice %arg6[%dma_wait3A] : memref<160xf32, #tpu.memory_space<vmem>> -> memref<32xf32, #tpu.memory_space<vmem>>
      %dma_wait3A_54 = tpu.memref_slice %arg3[%add3A_18] : memref<5120xf32, #tpu.memory_space<hbm>> -> memref<32xf32, #tpu.memory_space<hbm>>
      %dma_wait3A_55 = arith.constant 96 : i32
      %dma_wait3A_56 = tpu.memref_slice %arg6[%dma_wait3A_55] : memref<160xf32, #tpu.memory_space<vmem>> -> memref<32xf32, #tpu.memory_space<vmem>>
      %dma_wait3A_57 = tpu.memref_slice %arg3[%add3A_18] : memref<5120xf32, #tpu.memory_space<hbm>> -> memref<32xf32, #tpu.memory_space<hbm>>
      tpu.wait_dma2 semaphore(%run_scoped3A : memref<!tpu.dma_semaphore, #tpu.memory_space<semaphore_mem>>) src(%dma_wait3A_57 : memref<32xf32, #tpu.memory_space<hbm>>) dst(%dma_wait3A_56 : memref<32xf32, #tpu.memory_space<vmem>>)
      tpu.yield
    }) : () -> ()
    %add3A_19 = arith.constant 4096 : i32
    %add3A_20 = arith.addi %add3A_19, %mul3A_2 : i32
    "tpu.region"() ({
      %run_scoped3A = tpu.sem_alloc : memref<!tpu.dma_semaphore, #tpu.memory_space<semaphore_mem>>
      %dma_start3A = arith.constant 128 : i32
      %dma_start3A_48 = tpu.memref_slice %arg5[%dma_start3A] : memref<160xf32, #tpu.memory_space<vmem>> -> memref<32xf32, #tpu.memory_space<vmem>>
      %dma_start3A_49 = tpu.memref_slice %arg2[%add3A_20] : memref<5120xf32, #tpu.memory_space<hbm>> -> memref<32xf32, #tpu.memory_space<hbm>>
      %dma_start3A_50 = arith.constant 128 : i32
      %dma_start3A_51 = tpu.memref_slice %arg5[%dma_start3A_50] : memref<160xf32, #tpu.memory_space<vmem>> -> memref<32xf32, #tpu.memory_space<vmem>>
      %dma_start3A_52 = tpu.memref_slice %arg2[%add3A_20] : memref<5120xf32, #tpu.memory_space<hbm>> -> memref<32xf32, #tpu.memory_space<hbm>>
      tpu.enqueue_dma source(%dma_start3A_52 : memref<32xf32, #tpu.memory_space<hbm>>) target(%dma_start3A_51 : memref<32xf32, #tpu.memory_space<vmem>>) target_semaphore(%run_scoped3A : memref<!tpu.dma_semaphore, #tpu.memory_space<semaphore_mem>>)
      %dma_wait3A = arith.constant 128 : i32
      %dma_wait3A_53 = tpu.memref_slice %arg5[%dma_wait3A] : memref<160xf32, #tpu.memory_space<vmem>> -> memref<32xf32, #tpu.memory_space<vmem>>
      %dma_wait3A_54 = tpu.memref_slice %arg2[%add3A_20] : memref<5120xf32, #tpu.memory_space<hbm>> -> memref<32xf32, #tpu.memory_space<hbm>>
      %dma_wait3A_55 = arith.constant 128 : i32
      %dma_wait3A_56 = tpu.memref_slice %arg5[%dma_wait3A_55] : memref<160xf32, #tpu.memory_space<vmem>> -> memref<32xf32, #tpu.memory_space<vmem>>
      %dma_wait3A_57 = tpu.memref_slice %arg2[%add3A_20] : memref<5120xf32, #tpu.memory_space<hbm>> -> memref<32xf32, #tpu.memory_space<hbm>>
      tpu.wait_dma2 semaphore(%run_scoped3A : memref<!tpu.dma_semaphore, #tpu.memory_space<semaphore_mem>>) src(%dma_wait3A_57 : memref<32xf32, #tpu.memory_space<hbm>>) dst(%dma_wait3A_56 : memref<32xf32, #tpu.memory_space<vmem>>)
      tpu.yield
    }) : () -> ()
    %add3A_21 = arith.constant 4096 : i32
    %add3A_22 = arith.addi %add3A_21, %mul3A_2 : i32
    "tpu.region"() ({
      %run_scoped3A = tpu.sem_alloc : memref<!tpu.dma_semaphore, #tpu.memory_space<semaphore_mem>>
      %dma_start3A = arith.constant 128 : i32
      %dma_start3A_48 = tpu.memref_slice %arg6[%dma_start3A] : memref<160xf32, #tpu.memory_space<vmem>> -> memref<32xf32, #tpu.memory_space<vmem>>
      %dma_start3A_49 = tpu.memref_slice %arg3[%add3A_22] : memref<5120xf32, #tpu.memory_space<hbm>> -> memref<32xf32, #tpu.memory_space<hbm>>
      %dma_start3A_50 = arith.constant 128 : i32
      %dma_start3A_51 = tpu.memref_slice %arg6[%dma_start3A_50] : memref<160xf32, #tpu.memory_space<vmem>> -> memref<32xf32, #tpu.memory_space<vmem>>
      %dma_start3A_52 = tpu.memref_slice %arg3[%add3A_22] : memref<5120xf32, #tpu.memory_space<hbm>> -> memref<32xf32, #tpu.memory_space<hbm>>
      tpu.enqueue_dma source(%dma_start3A_52 : memref<32xf32, #tpu.memory_space<hbm>>) target(%dma_start3A_51 : memref<32xf32, #tpu.memory_space<vmem>>) target_semaphore(%run_scoped3A : memref<!tpu.dma_semaphore, #tpu.memory_space<semaphore_mem>>)
      %dma_wait3A = arith.constant 128 : i32
      %dma_wait3A_53 = tpu.memref_slice %arg6[%dma_wait3A] : memref<160xf32, #tpu.memory_space<vmem>> -> memref<32xf32, #tpu.memory_space<vmem>>
      %dma_wait3A_54 = tpu.memref_slice %arg3[%add3A_22] : memref<5120xf32, #tpu.memory_space<hbm>> -> memref<32xf32, #tpu.memory_space<hbm>>
      %dma_wait3A_55 = arith.constant 128 : i32
      %dma_wait3A_56 = tpu.memref_slice %arg6[%dma_wait3A_55] : memref<160xf32, #tpu.memory_space<vmem>> -> memref<32xf32, #tpu.memory_space<vmem>>
      %dma_wait3A_57 = tpu.memref_slice %arg3[%add3A_22] : memref<5120xf32, #tpu.memory_space<hbm>> -> memref<32xf32, #tpu.memory_space<hbm>>
      tpu.wait_dma2 semaphore(%run_scoped3A : memref<!tpu.dma_semaphore, #tpu.memory_space<semaphore_mem>>) src(%dma_wait3A_57 : memref<32xf32, #tpu.memory_space<hbm>>) dst(%dma_wait3A_56 : memref<32xf32, #tpu.memory_space<vmem>>)
      tpu.yield
    }) : () -> ()
    %scan3A = arith.constant 0 : i32
    %scan3A_23 = arith.constant 0 : i32
    %scan3A_24 = arith.constant 2 : i32
    %scan3A_25 = arith.addi %scan3A_23, %scan3A_24 : i32
    %scan3A_26 = arith.constant 1 : i32
    scf.for %scan3A_48 = %scan3A_23 to %scan3A_25 step %scan3A_26  : i32 {
      %mul3A_49 = arith.constant 16 : i32
      %mul3A_50 = arith.muli %scan3A_48, %mul3A_49 : i32
      %add3A_51 = arith.constant 0 : i32
      %add3A_52 = arith.addi %add3A_51, %mul3A_50 : i32
      %get3A = arith.index_cast %add3A_52 : i32 to index
      %get3A_53 = tpu.vector_load %arg5[%get3A] {strides = array<i32>} : memref<160xf32, #tpu.memory_space<vmem>>, vector<16xf32>,
      %get3A_54 = vector.shape_cast %get3A_53 : vector<16xf32> to vector<16xf32>
      %add3A_55 = arith.constant 32 : i32
      %add3A_56 = arith.addi %add3A_55, %mul3A_50 : i32
      %get3A_57 = arith.index_cast %add3A_56 : i32 to index
      %get3A_58 = tpu.vector_load %arg5[%get3A_57] {strides = array<i32>} : memref<160xf32, #tpu.memory_space<vmem>>, vector<16xf32>,
      %get3A_59 = vector.shape_cast %get3A_58 : vector<16xf32> to vector<16xf32>
      %add3A_60 = arith.constant 64 : i32
      %add3A_61 = arith.addi %add3A_60, %mul3A_50 : i32
      %get3A_62 = arith.index_cast %add3A_61 : i32 to index
      %get3A_63 = tpu.vector_load %arg5[%get3A_62] {strides = array<i32>} : memref<160xf32, #tpu.memory_space<vmem>>, vector<16xf32>,
      %get3A_64 = vector.shape_cast %get3A_63 : vector<16xf32> to vector<16xf32>
      %add3A_65 = arith.constant 96 : i32
      %add3A_66 = arith.addi %add3A_65, %mul3A_50 : i32
      %get3A_67 = arith.index_cast %add3A_66 : i32 to index
      %get3A_68 = tpu.vector_load %arg5[%get3A_67] {strides = array<i32>} : memref<160xf32, #tpu.memory_space<vmem>>, vector<16xf32>,
      %get3A_69 = vector.shape_cast %get3A_68 : vector<16xf32> to vector<16xf32>
      %add3A_70 = arith.constant 128 : i32
      %add3A_71 = arith.addi %add3A_70, %mul3A_50 : i32
      %get3A_72 = arith.index_cast %add3A_71 : i32 to index
      %get3A_73 = tpu.vector_load %arg5[%get3A_72] {strides = array<i32>} : memref<160xf32, #tpu.memory_space<vmem>>, vector<16xf32>,
      %get3A_74 = vector.shape_cast %get3A_73 : vector<16xf32> to vector<16xf32>
      %sub3A = arith.subf %get3A_54, %get3A_54 : vector<16xf32>
      %exp3A = math.exp %sub3A : vector<16xf32>
      %sub3A_75 = arith.subf %get3A_54, %get3A_59 : vector<16xf32>
      %exp3A_76 = math.exp %sub3A_75 : vector<16xf32>
      %sub3A_77 = arith.subf %get3A_54, %get3A_64 : vector<16xf32>
      %exp3A_78 = math.exp %sub3A_77 : vector<16xf32>
      %sub3A_79 = arith.subf %get3A_54, %get3A_69 : vector<16xf32>
      %exp3A_80 = math.exp %sub3A_79 : vector<16xf32>
      %sub3A_81 = arith.subf %get3A_54, %get3A_74 : vector<16xf32>
      %exp3A_82 = math.exp %sub3A_81 : vector<16xf32>
      %add3A_83 = arith.addf %exp3A, %exp3A_76 : vector<16xf32>
      %add3A_84 = arith.addf %add3A_83, %exp3A_78 : vector<16xf32>
      %add3A_85 = arith.addf %add3A_84, %exp3A_80 : vector<16xf32>
      %add3A_86 = arith.addf %add3A_85, %exp3A_82 : vector<16xf32>
      %div3A = arith.divf %exp3A, %add3A_86 : vector<16xf32>
      %div3A_87 = arith.divf %exp3A_76, %add3A_86 : vector<16xf32>
      %div3A_88 = arith.divf %exp3A_78, %add3A_86 : vector<16xf32>
      %div3A_89 = arith.divf %exp3A_80, %add3A_86 : vector<16xf32>
      %div3A_90 = arith.divf %exp3A_82, %add3A_86 : vector<16xf32>
      %add3A_91 = arith.constant 0 : i32
      %add3A_92 = arith.addi %add3A_91, %mul3A_50 : i32
      %get3A_93 = arith.index_cast %add3A_92 : i32 to index
      %get3A_94 = tpu.vector_load %arg6[%get3A_93] {strides = array<i32>} : memref<160xf32, #tpu.memory_space<vmem>>, vector<16xf32>,
      %get3A_95 = vector.shape_cast %get3A_94 : vector<16xf32> to vector<16xf32>
      %add3A_96 = arith.constant 32 : i32
      %add3A_97 = arith.addi %add3A_96, %mul3A_50 : i32
      %get3A_98 = arith.index_cast %add3A_97 : i32 to index
      %get3A_99 = tpu.vector_load %arg6[%get3A_98] {strides = array<i32>} : memref<160xf32, #tpu.memory_space<vmem>>, vector<16xf32>,
      %get3A_100 = vector.shape_cast %get3A_99 : vector<16xf32> to vector<16xf32>
      %add3A_101 = arith.constant 64 : i32
      %add3A_102 = arith.addi %add3A_101, %mul3A_50 : i32
      %get3A_103 = arith.index_cast %add3A_102 : i32 to index
      %get3A_104 = tpu.vector_load %arg6[%get3A_103] {strides = array<i32>} : memref<160xf32, #tpu.memory_space<vmem>>, vector<16xf32>,
      %get3A_105 = vector.shape_cast %get3A_104 : vector<16xf32> to vector<16xf32>
      %add3A_106 = arith.constant 96 : i32
      %add3A_107 = arith.addi %add3A_106, %mul3A_50 : i32
      %get3A_108 = arith.index_cast %add3A_107 : i32 to index
      %get3A_109 = tpu.vector_load %arg6[%get3A_108] {strides = array<i32>} : memref<160xf32, #tpu.memory_space<vmem>>, vector<16xf32>,
      %get3A_110 = vector.shape_cast %get3A_109 : vector<16xf32> to vector<16xf32>
      %add3A_111 = arith.constant 128 : i32
      %add3A_112 = arith.addi %add3A_111, %mul3A_50 : i32
      %get3A_113 = arith.index_cast %add3A_112 : i32 to index
      %get3A_114 = tpu.vector_load %arg6[%get3A_113] {strides = array<i32>} : memref<160xf32, #tpu.memory_space<vmem>>, vector<16xf32>,
      %get3A_115 = vector.shape_cast %get3A_114 : vector<16xf32> to vector<16xf32>
      %broadcast_in_dim3A = arith.constant 0.000000e+00 : f32
      %broadcast_in_dim3A_116 = vector.broadcast %broadcast_in_dim3A : f32 to vector<16xf32>
      %eq3A = arith.constant 0.000000e+00 : f32
      %eq3A_117 = vector.broadcast %eq3A : f32 to vector<16xf32>
      %eq3A_118 = arith.cmpf oeq, %get3A_95, %eq3A_117 : vector<16xf32>
      %jit3A = arith.constant 0.000000e+00 : f32
      %broadcast_in_dim3A_119 = vector.broadcast %jit3A : f32 to vector<16xf32>
      %select_n3A = arith.select %eq3A_118, %div3A, %broadcast_in_dim3A_119 : vector<16xi1>, vector<16xf32>
      %add3A_120 = arith.addf %broadcast_in_dim3A_116, %select_n3A : vector<16xf32>
      %eq3A_121 = arith.constant 0.000000e+00 : f32
      %eq3A_122 = vector.broadcast %eq3A_121 : f32 to vector<16xf32>
      %eq3A_123 = arith.cmpf oeq, %get3A_100, %eq3A_122 : vector<16xf32>
      %jit3A_124 = arith.constant 0.000000e+00 : f32
      %broadcast_in_dim3A_125 = vector.broadcast %jit3A_124 : f32 to vector<16xf32>
      %select_n3A_126 = arith.select %eq3A_123, %div3A_87, %broadcast_in_dim3A_125 : vector<16xi1>, vector<16xf32>
      %add3A_127 = arith.addf %add3A_120, %select_n3A_126 : vector<16xf32>
      %eq3A_128 = arith.constant 0.000000e+00 : f32
      %eq3A_129 = vector.broadcast %eq3A_128 : f32 to vector<16xf32>
      %eq3A_130 = arith.cmpf oeq, %get3A_105, %eq3A_129 : vector<16xf32>
      %jit3A_131 = arith.constant 0.000000e+00 : f32
      %broadcast_in_dim3A_132 = vector.broadcast %jit3A_131 : f32 to vector<16xf32>
      %select_n3A_133 = arith.select %eq3A_130, %div3A_88, %broadcast_in_dim3A_132 : vector<16xi1>, vector<16xf32>
      %add3A_134 = arith.addf %add3A_127, %select_n3A_133 : vector<16xf32>
      %eq3A_135 = arith.constant 0.000000e+00 : f32
      %eq3A_136 = vector.broadcast %eq3A_135 : f32 to vector<16xf32>
      %eq3A_137 = arith.cmpf oeq, %get3A_110, %eq3A_136 : vector<16xf32>
      %jit3A_138 = arith.constant 0.000000e+00 : f32
      %broadcast_in_dim3A_139 = vector.broadcast %jit3A_138 : f32 to vector<16xf32>
      %select_n3A_140 = arith.select %eq3A_137, %div3A_89, %broadcast_in_dim3A_139 : vector<16xi1>, vector<16xf32>
      %add3A_141 = arith.addf %add3A_134, %select_n3A_140 : vector<16xf32>
      %eq3A_142 = arith.constant 0.000000e+00 : f32
      %eq3A_143 = vector.broadcast %eq3A_142 : f32 to vector<16xf32>
      %eq3A_144 = arith.cmpf oeq, %get3A_115, %eq3A_143 : vector<16xf32>
      %jit3A_145 = arith.constant 0.000000e+00 : f32
      %broadcast_in_dim3A_146 = vector.broadcast %jit3A_145 : f32 to vector<16xf32>
      %select_n3A_147 = arith.select %eq3A_144, %div3A_90, %broadcast_in_dim3A_146 : vector<16xi1>, vector<16xf32>
      %add3A_148 = arith.addf %add3A_141, %select_n3A_147 : vector<16xf32>
      %add3A_149 = arith.constant 0 : i32
      %add3A_150 = arith.addi %add3A_149, %mul3A_50 : i32
      %swap3A = arith.index_cast %add3A_150 : i32 to index
      %swap3A_151 = tpu.vector_load %arg7[%swap3A] {strides = array<i32>} : memref<320xf32, #tpu.memory_space<vmem>>, vector<16xf32>,
      %swap3A_152 = vector.shape_cast %swap3A_151 : vector<16xf32> to vector<16xf32>
      %swap3A_153 = vector.shape_cast %add3A_148 : vector<16xf32> to vector<16xf32>
      tpu.vector_store %arg7[%swap3A], %swap3A_153 {strides = array<i32>} : memref<320xf32, #tpu.memory_space<vmem>>, vector<16xf32>,
      %broadcast_in_dim3A_154 = arith.constant 0.000000e+00 : f32
      %broadcast_in_dim3A_155 = vector.broadcast %broadcast_in_dim3A_154 : f32 to vector<16xf32>
      %eq3A_156 = arith.constant 1.000000e+00 : f32
      %eq3A_157 = vector.broadcast %eq3A_156 : f32 to vector<16xf32>
      %eq3A_158 = arith.cmpf oeq, %get3A_95, %eq3A_157 : vector<16xf32>
      %jit3A_159 = arith.constant 0.000000e+00 : f32
      %broadcast_in_dim3A_160 = vector.broadcast %jit3A_159 : f32 to vector<16xf32>
      %select_n3A_161 = arith.select %eq3A_158, %div3A, %broadcast_in_dim3A_160 : vector<16xi1>, vector<16xf32>
      %add3A_162 = arith.addf %broadcast_in_dim3A_155, %select_n3A_161 : vector<16xf32>
      %eq3A_163 = arith.constant 1.000000e+00 : f32
      %eq3A_164 = vector.broadcast %eq3A_163 : f32 to vector<16xf32>
      %eq3A_165 = arith.cmpf oeq, %get3A_100, %eq3A_164 : vector<16xf32>
      %jit3A_166 = arith.constant 0.000000e+00 : f32
      %broadcast_in_dim3A_167 = vector.broadcast %jit3A_166 : f32 to vector<16xf32>
      %select_n3A_168 = arith.select %eq3A_165, %div3A_87, %broadcast_in_dim3A_167 : vector<16xi1>, vector<16xf32>
      %add3A_169 = arith.addf %add3A_162, %select_n3A_168 : vector<16xf32>
      %eq3A_170 = arith.constant 1.000000e+00 : f32
      %eq3A_171 = vector.broadcast %eq3A_170 : f32 to vector<16xf32>
      %eq3A_172 = arith.cmpf oeq, %get3A_105, %eq3A_171 : vector<16xf32>
      %jit3A_173 = arith.constant 0.000000e+00 : f32
      %broadcast_in_dim3A_174 = vector.broadcast %jit3A_173 : f32 to vector<16xf32>
      %select_n3A_175 = arith.select %eq3A_172, %div3A_88, %broadcast_in_dim3A_174 : vector<16xi1>, vector<16xf32>
      %add3A_176 = arith.addf %add3A_169, %select_n3A_175 : vector<16xf32>
      %eq3A_177 = arith.constant 1.000000e+00 : f32
      %eq3A_178 = vector.broadcast %eq3A_177 : f32 to vector<16xf32>
      %eq3A_179 = arith.cmpf oeq, %get3A_110, %eq3A_178 : vector<16xf32>
      %jit3A_180 = arith.constant 0.000000e+00 : f32
      %broadcast_in_dim3A_181 = vector.broadcast %jit3A_180 : f32 to vector<16xf32>
      %select_n3A_182 = arith.select %eq3A_179, %div3A_89, %broadcast_in_dim3A_181 : vector<16xi1>, vector<16xf32>
      %add3A_183 = arith.addf %add3A_176, %select_n3A_182 : vector<16xf32>
      %eq3A_184 = arith.constant 1.000000e+00 : f32
      %eq3A_185 = vector.broadcast %eq3A_184 : f32 to vector<16xf32>
      %eq3A_186 = arith.cmpf oeq, %get3A_115, %eq3A_185 : vector<16xf32>
      %jit3A_187 = arith.constant 0.000000e+00 : f32
      %broadcast_in_dim3A_188 = vector.broadcast %jit3A_187 : f32 to vector<16xf32>
      %select_n3A_189 = arith.select %eq3A_186, %div3A_90, %broadcast_in_dim3A_188 : vector<16xi1>, vector<16xf32>
      %add3A_190 = arith.addf %add3A_183, %select_n3A_189 : vector<16xf32>
      %add3A_191 = arith.constant 32 : i32
      %add3A_192 = arith.addi %add3A_191, %mul3A_50 : i32
      %swap3A_193 = arith.index_cast %add3A_192 : i32 to index
      %swap3A_194 = tpu.vector_load %arg7[%swap3A_193] {strides = array<i32>} : memref<320xf32, #tpu.memory_space<vmem>>, vector<16xf32>,
      %swap3A_195 = vector.shape_cast %swap3A_194 : vector<16xf32> to vector<16xf32>
      %swap3A_196 = vector.shape_cast %add3A_190 : vector<16xf32> to vector<16xf32>
      tpu.vector_store %arg7[%swap3A_193], %swap3A_196 {strides = array<i32>} : memref<320xf32, #tpu.memory_space<vmem>>, vector<16xf32>,
      %broadcast_in_dim3A_197 = arith.constant 0.000000e+00 : f32
      %broadcast_in_dim3A_198 = vector.broadcast %broadcast_in_dim3A_197 : f32 to vector<16xf32>
      %eq3A_199 = arith.constant 2.000000e+00 : f32
      %eq3A_200 = vector.broadcast %eq3A_199 : f32 to vector<16xf32>
      %eq3A_201 = arith.cmpf oeq, %get3A_95, %eq3A_200 : vector<16xf32>
      %jit3A_202 = arith.constant 0.000000e+00 : f32
      %broadcast_in_dim3A_203 = vector.broadcast %jit3A_202 : f32 to vector<16xf32>
      %select_n3A_204 = arith.select %eq3A_201, %div3A, %broadcast_in_dim3A_203 : vector<16xi1>, vector<16xf32>
      %add3A_205 = arith.addf %broadcast_in_dim3A_198, %select_n3A_204 : vector<16xf32>
      %eq3A_206 = arith.constant 2.000000e+00 : f32
      %eq3A_207 = vector.broadcast %eq3A_206 : f32 to vector<16xf32>
      %eq3A_208 = arith.cmpf oeq, %get3A_100, %eq3A_207 : vector<16xf32>
      %jit3A_209 = arith.constant 0.000000e+00 : f32
      %broadcast_in_dim3A_210 = vector.broadcast %jit3A_209 : f32 to vector<16xf32>
      %select_n3A_211 = arith.select %eq3A_208, %div3A_87, %broadcast_in_dim3A_210 : vector<16xi1>, vector<16xf32>
      %add3A_212 = arith.addf %add3A_205, %select_n3A_211 : vector<16xf32>
      %eq3A_213 = arith.constant 2.000000e+00 : f32
      %eq3A_214 = vector.broadcast %eq3A_213 : f32 to vector<16xf32>
      %eq3A_215 = arith.cmpf oeq, %get3A_105, %eq3A_214 : vector<16xf32>
      %jit3A_216 = arith.constant 0.000000e+00 : f32
      %broadcast_in_dim3A_217 = vector.broadcast %jit3A_216 : f32 to vector<16xf32>
      %select_n3A_218 = arith.select %eq3A_215, %div3A_88, %broadcast_in_dim3A_217 : vector<16xi1>, vector<16xf32>
      %add3A_219 = arith.addf %add3A_212, %select_n3A_218 : vector<16xf32>
      %eq3A_220 = arith.constant 2.000000e+00 : f32
      %eq3A_221 = vector.broadcast %eq3A_220 : f32 to vector<16xf32>
      %eq3A_222 = arith.cmpf oeq, %get3A_110, %eq3A_221 : vector<16xf32>
      %jit3A_223 = arith.constant 0.000000e+00 : f32
      %broadcast_in_dim3A_224 = vector.broadcast %jit3A_223 : f32 to vector<16xf32>
      %select_n3A_225 = arith.select %eq3A_222, %div3A_89, %broadcast_in_dim3A_224 : vector<16xi1>, vector<16xf32>
      %add3A_226 = arith.addf %add3A_219, %select_n3A_225 : vector<16xf32>
      %eq3A_227 = arith.constant 2.000000e+00 : f32
      %eq3A_228 = vector.broadcast %eq3A_227 : f32 to vector<16xf32>
      %eq3A_229 = arith.cmpf oeq, %get3A_115, %eq3A_228 : vector<16xf32>
      %jit3A_230 = arith.constant 0.000000e+00 : f32
      %broadcast_in_dim3A_231 = vector.broadcast %jit3A_230 : f32 to vector<16xf32>
      %select_n3A_232 = arith.select %eq3A_229, %div3A_90, %broadcast_in_dim3A_231 : vector<16xi1>, vector<16xf32>
      %add3A_233 = arith.addf %add3A_226, %select_n3A_232 : vector<16xf32>
      %add3A_234 = arith.constant 64 : i32
      %add3A_235 = arith.addi %add3A_234, %mul3A_50 : i32
      %swap3A_236 = arith.index_cast %add3A_235 : i32 to index
      %swap3A_237 = tpu.vector_load %arg7[%swap3A_236] {strides = array<i32>} : memref<320xf32, #tpu.memory_space<vmem>>, vector<16xf32>,
      %swap3A_238 = vector.shape_cast %swap3A_237 : vector<16xf32> to vector<16xf32>
      %swap3A_239 = vector.shape_cast %add3A_233 : vector<16xf32> to vector<16xf32>
      tpu.vector_store %arg7[%swap3A_236], %swap3A_239 {strides = array<i32>} : memref<320xf32, #tpu.memory_space<vmem>>, vector<16xf32>,
      %broadcast_in_dim3A_240 = arith.constant 0.000000e+00 : f32
      %broadcast_in_dim3A_241 = vector.broadcast %broadcast_in_dim3A_240 : f32 to vector<16xf32>
      %eq3A_242 = arith.constant 3.000000e+00 : f32
      %eq3A_243 = vector.broadcast %eq3A_242 : f32 to vector<16xf32>
      %eq3A_244 = arith.cmpf oeq, %get3A_95, %eq3A_243 : vector<16xf32>
      %jit3A_245 = arith.constant 0.000000e+00 : f32
      %broadcast_in_dim3A_246 = vector.broadcast %jit3A_245 : f32 to vector<16xf32>
      %select_n3A_247 = arith.select %eq3A_244, %div3A, %broadcast_in_dim3A_246 : vector<16xi1>, vector<16xf32>
      %add3A_248 = arith.addf %broadcast_in_dim3A_241, %select_n3A_247 : vector<16xf32>
      %eq3A_249 = arith.constant 3.000000e+00 : f32
      %eq3A_250 = vector.broadcast %eq3A_249 : f32 to vector<16xf32>
      %eq3A_251 = arith.cmpf oeq, %get3A_100, %eq3A_250 : vector<16xf32>
      %jit3A_252 = arith.constant 0.000000e+00 : f32
      %broadcast_in_dim3A_253 = vector.broadcast %jit3A_252 : f32 to vector<16xf32>
      %select_n3A_254 = arith.select %eq3A_251, %div3A_87, %broadcast_in_dim3A_253 : vector<16xi1>, vector<16xf32>
      %add3A_255 = arith.addf %add3A_248, %select_n3A_254 : vector<16xf32>
      %eq3A_256 = arith.constant 3.000000e+00 : f32
      %eq3A_257 = vector.broadcast %eq3A_256 : f32 to vector<16xf32>
      %eq3A_258 = arith.cmpf oeq, %get3A_105, %eq3A_257 : vector<16xf32>
      %jit3A_259 = arith.constant 0.000000e+00 : f32
      %broadcast_in_dim3A_260 = vector.broadcast %jit3A_259 : f32 to vector<16xf32>
      %select_n3A_261 = arith.select %eq3A_258, %div3A_88, %broadcast_in_dim3A_260 : vector<16xi1>, vector<16xf32>
      %add3A_262 = arith.addf %add3A_255, %select_n3A_261 : vector<16xf32>
      %eq3A_263 = arith.constant 3.000000e+00 : f32
      %eq3A_264 = vector.broadcast %eq3A_263 : f32 to vector<16xf32>
      %eq3A_265 = arith.cmpf oeq, %get3A_110, %eq3A_264 : vector<16xf32>
      %jit3A_266 = arith.constant 0.000000e+00 : f32
      %broadcast_in_dim3A_267 = vector.broadcast %jit3A_266 : f32 to vector<16xf32>
      %select_n3A_268 = arith.select %eq3A_265, %div3A_89, %broadcast_in_dim3A_267 : vector<16xi1>, vector<16xf32>
      %add3A_269 = arith.addf %add3A_262, %select_n3A_268 : vector<16xf32>
      %eq3A_270 = arith.constant 3.000000e+00 : f32
      %eq3A_271 = vector.broadcast %eq3A_270 : f32 to vector<16xf32>
      %eq3A_272 = arith.cmpf oeq, %get3A_115, %eq3A_271 : vector<16xf32>
      %jit3A_273 = arith.constant 0.000000e+00 : f32
      %broadcast_in_dim3A_274 = vector.broadcast %jit3A_273 : f32 to vector<16xf32>
      %select_n3A_275 = arith.select %eq3A_272, %div3A_90, %broadcast_in_dim3A_274 : vector<16xi1>, vector<16xf32>
      %add3A_276 = arith.addf %add3A_269, %select_n3A_275 : vector<16xf32>
      %add3A_277 = arith.constant 96 : i32
      %add3A_278 = arith.addi %add3A_277, %mul3A_50 : i32
      %swap3A_279 = arith.index_cast %add3A_278 : i32 to index
      %swap3A_280 = tpu.vector_load %arg7[%swap3A_279] {strides = array<i32>} : memref<320xf32, #tpu.memory_space<vmem>>, vector<16xf32>,
      %swap3A_281 = vector.shape_cast %swap3A_280 : vector<16xf32> to vector<16xf32>
      %swap3A_282 = vector.shape_cast %add3A_276 : vector<16xf32> to vector<16xf32>
      tpu.vector_store %arg7[%swap3A_279], %swap3A_282 {strides = array<i32>} : memref<320xf32, #tpu.memory_space<vmem>>, vector<16xf32>,
      %broadcast_in_dim3A_283 = arith.constant 0.000000e+00 : f32
      %broadcast_in_dim3A_284 = vector.broadcast %broadcast_in_dim3A_283 : f32 to vector<16xf32>
      %eq3A_285 = arith.constant 4.000000e+00 : f32
      %eq3A_286 = vector.broadcast %eq3A_285 : f32 to vector<16xf32>
      %eq3A_287 = arith.cmpf oeq, %get3A_95, %eq3A_286 : vector<16xf32>
      %jit3A_288 = arith.constant 0.000000e+00 : f32
      %broadcast_in_dim3A_289 = vector.broadcast %jit3A_288 : f32 to vector<16xf32>
      %select_n3A_290 = arith.select %eq3A_287, %div3A, %broadcast_in_dim3A_289 : vector<16xi1>, vector<16xf32>
      %add3A_291 = arith.addf %broadcast_in_dim3A_284, %select_n3A_290 : vector<16xf32>
      %eq3A_292 = arith.constant 4.000000e+00 : f32
      %eq3A_293 = vector.broadcast %eq3A_292 : f32 to vector<16xf32>
      %eq3A_294 = arith.cmpf oeq, %get3A_100, %eq3A_293 : vector<16xf32>
      %jit3A_295 = arith.constant 0.000000e+00 : f32
      %broadcast_in_dim3A_296 = vector.broadcast %jit3A_295 : f32 to vector<16xf32>
      %select_n3A_297 = arith.select %eq3A_294, %div3A_87, %broadcast_in_dim3A_296 : vector<16xi1>, vector<16xf32>
      %add3A_298 = arith.addf %add3A_291, %select_n3A_297 : vector<16xf32>
      %eq3A_299 = arith.constant 4.000000e+00 : f32
      %eq3A_300 = vector.broadcast %eq3A_299 : f32 to vector<16xf32>
      %eq3A_301 = arith.cmpf oeq, %get3A_105, %eq3A_300 : vector<16xf32>
      %jit3A_302 = arith.constant 0.000000e+00 : f32
      %broadcast_in_dim3A_303 = vector.broadcast %jit3A_302 : f32 to vector<16xf32>
      %select_n3A_304 = arith.select %eq3A_301, %div3A_88, %broadcast_in_dim3A_303 : vector<16xi1>, vector<16xf32>
      %add3A_305 = arith.addf %add3A_298, %select_n3A_304 : vector<16xf32>
      %eq3A_306 = arith.constant 4.000000e+00 : f32
      %eq3A_307 = vector.broadcast %eq3A_306 : f32 to vector<16xf32>
      %eq3A_308 = arith.cmpf oeq, %get3A_110, %eq3A_307 : vector<16xf32>
      %jit3A_309 = arith.constant 0.000000e+00 : f32
      %broadcast_in_dim3A_310 = vector.broadcast %jit3A_309 : f32 to vector<16xf32>
      %select_n3A_311 = arith.select %eq3A_308, %div3A_89, %broadcast_in_dim3A_310 : vector<16xi1>, vector<16xf32>
      %add3A_312 = arith.addf %add3A_305, %select_n3A_311 : vector<16xf32>
      %eq3A_313 = arith.constant 4.000000e+00 : f32
      %eq3A_314 = vector.broadcast %eq3A_313 : f32 to vector<16xf32>
      %eq3A_315 = arith.cmpf oeq, %get3A_115, %eq3A_314 : vector<16xf32>
      %jit3A_316 = arith.constant 0.000000e+00 : f32
      %broadcast_in_dim3A_317 = vector.broadcast %jit3A_316 : f32 to vector<16xf32>
      %select_n3A_318 = arith.select %eq3A_315, %div3A_90, %broadcast_in_dim3A_317 : vector<16xi1>, vector<16xf32>
      %add3A_319 = arith.addf %add3A_312, %select_n3A_318 : vector<16xf32>
      %add3A_320 = arith.constant 128 : i32
      %add3A_321 = arith.addi %add3A_320, %mul3A_50 : i32
      %swap3A_322 = arith.index_cast %add3A_321 : i32 to index
      %swap3A_323 = tpu.vector_load %arg7[%swap3A_322] {strides = array<i32>} : memref<320xf32, #tpu.memory_space<vmem>>, vector<16xf32>,
      %swap3A_324 = vector.shape_cast %swap3A_323 : vector<16xf32> to vector<16xf32>
      %swap3A_325 = vector.shape_cast %add3A_319 : vector<16xf32> to vector<16xf32>
      tpu.vector_store %arg7[%swap3A_322], %swap3A_325 {strides = array<i32>} : memref<320xf32, #tpu.memory_space<vmem>>, vector<16xf32>,
      %broadcast_in_dim3A_326 = arith.constant 0.000000e+00 : f32
      %broadcast_in_dim3A_327 = vector.broadcast %broadcast_in_dim3A_326 : f32 to vector<16xf32>
      %eq3A_328 = arith.constant 5.000000e+00 : f32
      %eq3A_329 = vector.broadcast %eq3A_328 : f32 to vector<16xf32>
      %eq3A_330 = arith.cmpf oeq, %get3A_95, %eq3A_329 : vector<16xf32>
      %jit3A_331 = arith.constant 0.000000e+00 : f32
      %broadcast_in_dim3A_332 = vector.broadcast %jit3A_331 : f32 to vector<16xf32>
      %select_n3A_333 = arith.select %eq3A_330, %div3A, %broadcast_in_dim3A_332 : vector<16xi1>, vector<16xf32>
      %add3A_334 = arith.addf %broadcast_in_dim3A_327, %select_n3A_333 : vector<16xf32>
      %eq3A_335 = arith.constant 5.000000e+00 : f32
      %eq3A_336 = vector.broadcast %eq3A_335 : f32 to vector<16xf32>
      %eq3A_337 = arith.cmpf oeq, %get3A_100, %eq3A_336 : vector<16xf32>
      %jit3A_338 = arith.constant 0.000000e+00 : f32
      %broadcast_in_dim3A_339 = vector.broadcast %jit3A_338 : f32 to vector<16xf32>
      %select_n3A_340 = arith.select %eq3A_337, %div3A_87, %broadcast_in_dim3A_339 : vector<16xi1>, vector<16xf32>
      %add3A_341 = arith.addf %add3A_334, %select_n3A_340 : vector<16xf32>
      %eq3A_342 = arith.constant 5.000000e+00 : f32
      %eq3A_343 = vector.broadcast %eq3A_342 : f32 to vector<16xf32>
      %eq3A_344 = arith.cmpf oeq, %get3A_105, %eq3A_343 : vector<16xf32>
      %jit3A_345 = arith.constant 0.000000e+00 : f32
      %broadcast_in_dim3A_346 = vector.broadcast %jit3A_345 : f32 to vector<16xf32>
      %select_n3A_347 = arith.select %eq3A_344, %div3A_88, %broadcast_in_dim3A_346 : vector<16xi1>, vector<16xf32>
      %add3A_348 = arith.addf %add3A_341, %select_n3A_347 : vector<16xf32>
      %eq3A_349 = arith.constant 5.000000e+00 : f32
      %eq3A_350 = vector.broadcast %eq3A_349 : f32 to vector<16xf32>
      %eq3A_351 = arith.cmpf oeq, %get3A_110, %eq3A_350 : vector<16xf32>
      %jit3A_352 = arith.constant 0.000000e+00 : f32
      %broadcast_in_dim3A_353 = vector.broadcast %jit3A_352 : f32 to vector<16xf32>
      %select_n3A_354 = arith.select %eq3A_351, %div3A_89, %broadcast_in_dim3A_353 : vector<16xi1>, vector<16xf32>
      %add3A_355 = arith.addf %add3A_348, %select_n3A_354 : vector<16xf32>
      %eq3A_356 = arith.constant 5.000000e+00 : f32
      %eq3A_357 = vector.broadcast %eq3A_356 : f32 to vector<16xf32>
      %eq3A_358 = arith.cmpf oeq, %get3A_115, %eq3A_357 : vector<16xf32>
      %jit3A_359 = arith.constant 0.000000e+00 : f32
      %broadcast_in_dim3A_360 = vector.broadcast %jit3A_359 : f32 to vector<16xf32>
      %select_n3A_361 = arith.select %eq3A_358, %div3A_90, %broadcast_in_dim3A_360 : vector<16xi1>, vector<16xf32>
      %add3A_362 = arith.addf %add3A_355, %select_n3A_361 : vector<16xf32>
      %add3A_363 = arith.constant 160 : i32
      %add3A_364 = arith.addi %add3A_363, %mul3A_50 : i32
      %swap3A_365 = arith.index_cast %add3A_364 : i32 to index
      %swap3A_366 = tpu.vector_load %arg7[%swap3A_365] {strides = array<i32>} : memref<320xf32, #tpu.memory_space<vmem>>, vector<16xf32>,
      %swap3A_367 = vector.shape_cast %swap3A_366 : vector<16xf32> to vector<16xf32>
      %swap3A_368 = vector.shape_cast %add3A_362 : vector<16xf32> to vector<16xf32>
      tpu.vector_store %arg7[%swap3A_365], %swap3A_368 {strides = array<i32>} : memref<320xf32, #tpu.memory_space<vmem>>, vector<16xf32>,
      %broadcast_in_dim3A_369 = arith.constant 0.000000e+00 : f32
      %broadcast_in_dim3A_370 = vector.broadcast %broadcast_in_dim3A_369 : f32 to vector<16xf32>
      %eq3A_371 = arith.constant 6.000000e+00 : f32
      %eq3A_372 = vector.broadcast %eq3A_371 : f32 to vector<16xf32>
      %eq3A_373 = arith.cmpf oeq, %get3A_95, %eq3A_372 : vector<16xf32>
      %jit3A_374 = arith.constant 0.000000e+00 : f32
      %broadcast_in_dim3A_375 = vector.broadcast %jit3A_374 : f32 to vector<16xf32>
      %select_n3A_376 = arith.select %eq3A_373, %div3A, %broadcast_in_dim3A_375 : vector<16xi1>, vector<16xf32>
      %add3A_377 = arith.addf %broadcast_in_dim3A_370, %select_n3A_376 : vector<16xf32>
      %eq3A_378 = arith.constant 6.000000e+00 : f32
      %eq3A_379 = vector.broadcast %eq3A_378 : f32 to vector<16xf32>
      %eq3A_380 = arith.cmpf oeq, %get3A_100, %eq3A_379 : vector<16xf32>
      %jit3A_381 = arith.constant 0.000000e+00 : f32
      %broadcast_in_dim3A_382 = vector.broadcast %jit3A_381 : f32 to vector<16xf32>
      %select_n3A_383 = arith.select %eq3A_380, %div3A_87, %broadcast_in_dim3A_382 : vector<16xi1>, vector<16xf32>
      %add3A_384 = arith.addf %add3A_377, %select_n3A_383 : vector<16xf32>
      %eq3A_385 = arith.constant 6.000000e+00 : f32
      %eq3A_386 = vector.broadcast %eq3A_385 : f32 to vector<16xf32>
      %eq3A_387 = arith.cmpf oeq, %get3A_105, %eq3A_386 : vector<16xf32>
      %jit3A_388 = arith.constant 0.000000e+00 : f32
      %broadcast_in_dim3A_389 = vector.broadcast %jit3A_388 : f32 to vector<16xf32>
      %select_n3A_390 = arith.select %eq3A_387, %div3A_88, %broadcast_in_dim3A_389 : vector<16xi1>, vector<16xf32>
      %add3A_391 = arith.addf %add3A_384, %select_n3A_390 : vector<16xf32>
      %eq3A_392 = arith.constant 6.000000e+00 : f32
      %eq3A_393 = vector.broadcast %eq3A_392 : f32 to vector<16xf32>
      %eq3A_394 = arith.cmpf oeq, %get3A_110, %eq3A_393 : vector<16xf32>
      %jit3A_395 = arith.constant 0.000000e+00 : f32
      %broadcast_in_dim3A_396 = vector.broadcast %jit3A_395 : f32 to vector<16xf32>
      %select_n3A_397 = arith.select %eq3A_394, %div3A_89, %broadcast_in_dim3A_396 : vector<16xi1>, vector<16xf32>
      %add3A_398 = arith.addf %add3A_391, %select_n3A_397 : vector<16xf32>
      %eq3A_399 = arith.constant 6.000000e+00 : f32
      %eq3A_400 = vector.broadcast %eq3A_399 : f32 to vector<16xf32>
      %eq3A_401 = arith.cmpf oeq, %get3A_115, %eq3A_400 : vector<16xf32>
      %jit3A_402 = arith.constant 0.000000e+00 : f32
      %broadcast_in_dim3A_403 = vector.broadcast %jit3A_402 : f32 to vector<16xf32>
      %select_n3A_404 = arith.select %eq3A_401, %div3A_90, %broadcast_in_dim3A_403 : vector<16xi1>, vector<16xf32>
      %add3A_405 = arith.addf %add3A_398, %select_n3A_404 : vector<16xf32>
      %add3A_406 = arith.constant 192 : i32
      %add3A_407 = arith.addi %add3A_406, %mul3A_50 : i32
      %swap3A_408 = arith.index_cast %add3A_407 : i32 to index
      %swap3A_409 = tpu.vector_load %arg7[%swap3A_408] {strides = array<i32>} : memref<320xf32, #tpu.memory_space<vmem>>, vector<16xf32>,
      %swap3A_410 = vector.shape_cast %swap3A_409 : vector<16xf32> to vector<16xf32>
      %swap3A_411 = vector.shape_cast %add3A_405 : vector<16xf32> to vector<16xf32>
      tpu.vector_store %arg7[%swap3A_408], %swap3A_411 {strides = array<i32>} : memref<320xf32, #tpu.memory_space<vmem>>, vector<16xf32>,
      %broadcast_in_dim3A_412 = arith.constant 0.000000e+00 : f32
      %broadcast_in_dim3A_413 = vector.broadcast %broadcast_in_dim3A_412 : f32 to vector<16xf32>
      %eq3A_414 = arith.constant 7.000000e+00 : f32
      %eq3A_415 = vector.broadcast %eq3A_414 : f32 to vector<16xf32>
      %eq3A_416 = arith.cmpf oeq, %get3A_95, %eq3A_415 : vector<16xf32>
      %jit3A_417 = arith.constant 0.000000e+00 : f32
      %broadcast_in_dim3A_418 = vector.broadcast %jit3A_417 : f32 to vector<16xf32>
      %select_n3A_419 = arith.select %eq3A_416, %div3A, %broadcast_in_dim3A_418 : vector<16xi1>, vector<16xf32>
      %add3A_420 = arith.addf %broadcast_in_dim3A_413, %select_n3A_419 : vector<16xf32>
      %eq3A_421 = arith.constant 7.000000e+00 : f32
      %eq3A_422 = vector.broadcast %eq3A_421 : f32 to vector<16xf32>
      %eq3A_423 = arith.cmpf oeq, %get3A_100, %eq3A_422 : vector<16xf32>
      %jit3A_424 = arith.constant 0.000000e+00 : f32
      %broadcast_in_dim3A_425 = vector.broadcast %jit3A_424 : f32 to vector<16xf32>
      %select_n3A_426 = arith.select %eq3A_423, %div3A_87, %broadcast_in_dim3A_425 : vector<16xi1>, vector<16xf32>
      %add3A_427 = arith.addf %add3A_420, %select_n3A_426 : vector<16xf32>
      %eq3A_428 = arith.constant 7.000000e+00 : f32
      %eq3A_429 = vector.broadcast %eq3A_428 : f32 to vector<16xf32>
      %eq3A_430 = arith.cmpf oeq, %get3A_105, %eq3A_429 : vector<16xf32>
      %jit3A_431 = arith.constant 0.000000e+00 : f32
      %broadcast_in_dim3A_432 = vector.broadcast %jit3A_431 : f32 to vector<16xf32>
      %select_n3A_433 = arith.select %eq3A_430, %div3A_88, %broadcast_in_dim3A_432 : vector<16xi1>, vector<16xf32>
      %add3A_434 = arith.addf %add3A_427, %select_n3A_433 : vector<16xf32>
      %eq3A_435 = arith.constant 7.000000e+00 : f32
      %eq3A_436 = vector.broadcast %eq3A_435 : f32 to vector<16xf32>
      %eq3A_437 = arith.cmpf oeq, %get3A_110, %eq3A_436 : vector<16xf32>
      %jit3A_438 = arith.constant 0.000000e+00 : f32
      %broadcast_in_dim3A_439 = vector.broadcast %jit3A_438 : f32 to vector<16xf32>
      %select_n3A_440 = arith.select %eq3A_437, %div3A_89, %broadcast_in_dim3A_439 : vector<16xi1>, vector<16xf32>
      %add3A_441 = arith.addf %add3A_434, %select_n3A_440 : vector<16xf32>
      %eq3A_442 = arith.constant 7.000000e+00 : f32
      %eq3A_443 = vector.broadcast %eq3A_442 : f32 to vector<16xf32>
      %eq3A_444 = arith.cmpf oeq, %get3A_115, %eq3A_443 : vector<16xf32>
      %jit3A_445 = arith.constant 0.000000e+00 : f32
      %broadcast_in_dim3A_446 = vector.broadcast %jit3A_445 : f32 to vector<16xf32>
      %select_n3A_447 = arith.select %eq3A_444, %div3A_90, %broadcast_in_dim3A_446 : vector<16xi1>, vector<16xf32>
      %add3A_448 = arith.addf %add3A_441, %select_n3A_447 : vector<16xf32>
      %add3A_449 = arith.constant 224 : i32
      %add3A_450 = arith.addi %add3A_449, %mul3A_50 : i32
      %swap3A_451 = arith.index_cast %add3A_450 : i32 to index
      %swap3A_452 = tpu.vector_load %arg7[%swap3A_451] {strides = array<i32>} : memref<320xf32, #tpu.memory_space<vmem>>, vector<16xf32>,
      %swap3A_453 = vector.shape_cast %swap3A_452 : vector<16xf32> to vector<16xf32>
      %swap3A_454 = vector.shape_cast %add3A_448 : vector<16xf32> to vector<16xf32>
      tpu.vector_store %arg7[%swap3A_451], %swap3A_454 {strides = array<i32>} : memref<320xf32, #tpu.memory_space<vmem>>, vector<16xf32>,
      %broadcast_in_dim3A_455 = arith.constant 0.000000e+00 : f32
      %broadcast_in_dim3A_456 = vector.broadcast %broadcast_in_dim3A_455 : f32 to vector<16xf32>
      %eq3A_457 = arith.constant 8.000000e+00 : f32
      %eq3A_458 = vector.broadcast %eq3A_457 : f32 to vector<16xf32>
      %eq3A_459 = arith.cmpf oeq, %get3A_95, %eq3A_458 : vector<16xf32>
      %jit3A_460 = arith.constant 0.000000e+00 : f32
      %broadcast_in_dim3A_461 = vector.broadcast %jit3A_460 : f32 to vector<16xf32>
      %select_n3A_462 = arith.select %eq3A_459, %div3A, %broadcast_in_dim3A_461 : vector<16xi1>, vector<16xf32>
      %add3A_463 = arith.addf %broadcast_in_dim3A_456, %select_n3A_462 : vector<16xf32>
      %eq3A_464 = arith.constant 8.000000e+00 : f32
      %eq3A_465 = vector.broadcast %eq3A_464 : f32 to vector<16xf32>
      %eq3A_466 = arith.cmpf oeq, %get3A_100, %eq3A_465 : vector<16xf32>
      %jit3A_467 = arith.constant 0.000000e+00 : f32
      %broadcast_in_dim3A_468 = vector.broadcast %jit3A_467 : f32 to vector<16xf32>
      %select_n3A_469 = arith.select %eq3A_466, %div3A_87, %broadcast_in_dim3A_468 : vector<16xi1>, vector<16xf32>
      %add3A_470 = arith.addf %add3A_463, %select_n3A_469 : vector<16xf32>
      %eq3A_471 = arith.constant 8.000000e+00 : f32
      %eq3A_472 = vector.broadcast %eq3A_471 : f32 to vector<16xf32>
      %eq3A_473 = arith.cmpf oeq, %get3A_105, %eq3A_472 : vector<16xf32>
      %jit3A_474 = arith.constant 0.000000e+00 : f32
      %broadcast_in_dim3A_475 = vector.broadcast %jit3A_474 : f32 to vector<16xf32>
      %select_n3A_476 = arith.select %eq3A_473, %div3A_88, %broadcast_in_dim3A_475 : vector<16xi1>, vector<16xf32>
      %add3A_477 = arith.addf %add3A_470, %select_n3A_476 : vector<16xf32>
      %eq3A_478 = arith.constant 8.000000e+00 : f32
      %eq3A_479 = vector.broadcast %eq3A_478 : f32 to vector<16xf32>
      %eq3A_480 = arith.cmpf oeq, %get3A_110, %eq3A_479 : vector<16xf32>
      %jit3A_481 = arith.constant 0.000000e+00 : f32
      %broadcast_in_dim3A_482 = vector.broadcast %jit3A_481 : f32 to vector<16xf32>
      %select_n3A_483 = arith.select %eq3A_480, %div3A_89, %broadcast_in_dim3A_482 : vector<16xi1>, vector<16xf32>
      %add3A_484 = arith.addf %add3A_477, %select_n3A_483 : vector<16xf32>
      %eq3A_485 = arith.constant 8.000000e+00 : f32
      %eq3A_486 = vector.broadcast %eq3A_485 : f32 to vector<16xf32>
      %eq3A_487 = arith.cmpf oeq, %get3A_115, %eq3A_486 : vector<16xf32>
      %jit3A_488 = arith.constant 0.000000e+00 : f32
      %broadcast_in_dim3A_489 = vector.broadcast %jit3A_488 : f32 to vector<16xf32>
      %select_n3A_490 = arith.select %eq3A_487, %div3A_90, %broadcast_in_dim3A_489 : vector<16xi1>, vector<16xf32>
      %add3A_491 = arith.addf %add3A_484, %select_n3A_490 : vector<16xf32>
      %add3A_492 = arith.constant 256 : i32
      %add3A_493 = arith.addi %add3A_492, %mul3A_50 : i32
      %swap3A_494 = arith.index_cast %add3A_493 : i32 to index
      %swap3A_495 = tpu.vector_load %arg7[%swap3A_494] {strides = array<i32>} : memref<320xf32, #tpu.memory_space<vmem>>, vector<16xf32>,
      %swap3A_496 = vector.shape_cast %swap3A_495 : vector<16xf32> to vector<16xf32>
      %swap3A_497 = vector.shape_cast %add3A_491 : vector<16xf32> to vector<16xf32>
      tpu.vector_store %arg7[%swap3A_494], %swap3A_497 {strides = array<i32>} : memref<320xf32, #tpu.memory_space<vmem>>, vector<16xf32>,
      %broadcast_in_dim3A_498 = arith.constant 0.000000e+00 : f32
      %broadcast_in_dim3A_499 = vector.broadcast %broadcast_in_dim3A_498 : f32 to vector<16xf32>
      %eq3A_500 = arith.constant 9.000000e+00 : f32
      %eq3A_501 = vector.broadcast %eq3A_500 : f32 to vector<16xf32>
      %eq3A_502 = arith.cmpf oeq, %get3A_95, %eq3A_501 : vector<16xf32>
      %jit3A_503 = arith.constant 0.000000e+00 : f32
      %broadcast_in_dim3A_504 = vector.broadcast %jit3A_503 : f32 to vector<16xf32>
      %select_n3A_505 = arith.select %eq3A_502, %div3A, %broadcast_in_dim3A_504 : vector<16xi1>, vector<16xf32>
      %add3A_506 = arith.addf %broadcast_in_dim3A_499, %select_n3A_505 : vector<16xf32>
      %eq3A_507 = arith.constant 9.000000e+00 : f32
      %eq3A_508 = vector.broadcast %eq3A_507 : f32 to vector<16xf32>
      %eq3A_509 = arith.cmpf oeq, %get3A_100, %eq3A_508 : vector<16xf32>
      %jit3A_510 = arith.constant 0.000000e+00 : f32
      %broadcast_in_dim3A_511 = vector.broadcast %jit3A_510 : f32 to vector<16xf32>
      %select_n3A_512 = arith.select %eq3A_509, %div3A_87, %broadcast_in_dim3A_511 : vector<16xi1>, vector<16xf32>
      %add3A_513 = arith.addf %add3A_506, %select_n3A_512 : vector<16xf32>
      %eq3A_514 = arith.constant 9.000000e+00 : f32
      %eq3A_515 = vector.broadcast %eq3A_514 : f32 to vector<16xf32>
      %eq3A_516 = arith.cmpf oeq, %get3A_105, %eq3A_515 : vector<16xf32>
      %jit3A_517 = arith.constant 0.000000e+00 : f32
      %broadcast_in_dim3A_518 = vector.broadcast %jit3A_517 : f32 to vector<16xf32>
      %select_n3A_519 = arith.select %eq3A_516, %div3A_88, %broadcast_in_dim3A_518 : vector<16xi1>, vector<16xf32>
      %add3A_520 = arith.addf %add3A_513, %select_n3A_519 : vector<16xf32>
      %eq3A_521 = arith.constant 9.000000e+00 : f32
      %eq3A_522 = vector.broadcast %eq3A_521 : f32 to vector<16xf32>
      %eq3A_523 = arith.cmpf oeq, %get3A_110, %eq3A_522 : vector<16xf32>
      %jit3A_524 = arith.constant 0.000000e+00 : f32
      %broadcast_in_dim3A_525 = vector.broadcast %jit3A_524 : f32 to vector<16xf32>
      %select_n3A_526 = arith.select %eq3A_523, %div3A_89, %broadcast_in_dim3A_525 : vector<16xi1>, vector<16xf32>
      %add3A_527 = arith.addf %add3A_520, %select_n3A_526 : vector<16xf32>
      %eq3A_528 = arith.constant 9.000000e+00 : f32
      %eq3A_529 = vector.broadcast %eq3A_528 : f32 to vector<16xf32>
      %eq3A_530 = arith.cmpf oeq, %get3A_115, %eq3A_529 : vector<16xf32>
      %jit3A_531 = arith.constant 0.000000e+00 : f32
      %broadcast_in_dim3A_532 = vector.broadcast %jit3A_531 : f32 to vector<16xf32>
      %select_n3A_533 = arith.select %eq3A_530, %div3A_90, %broadcast_in_dim3A_532 : vector<16xi1>, vector<16xf32>
      %add3A_534 = arith.addf %add3A_527, %select_n3A_533 : vector<16xf32>
      %add3A_535 = arith.constant 288 : i32
      %add3A_536 = arith.addi %add3A_535, %mul3A_50 : i32
      %swap3A_537 = arith.index_cast %add3A_536 : i32 to index
      %swap3A_538 = tpu.vector_load %arg7[%swap3A_537] {strides = array<i32>} : memref<320xf32, #tpu.memory_space<vmem>>, vector<16xf32>,
      %swap3A_539 = vector.shape_cast %swap3A_538 : vector<16xf32> to vector<16xf32>
      %swap3A_540 = vector.shape_cast %add3A_534 : vector<16xf32> to vector<16xf32>
      tpu.vector_store %arg7[%swap3A_537], %swap3A_540 {strides = array<i32>} : memref<320xf32, #tpu.memory_space<vmem>>, vector<16xf32>,
    }
    %scan3A_27 = arith.constant 2 : i32
    %add3A_28 = arith.constant 0 : i32
    %add3A_29 = arith.addi %add3A_28, %mul3A_2 : i32
    "tpu.region"() ({
      %run_scoped3A = tpu.sem_alloc : memref<!tpu.dma_semaphore, #tpu.memory_space<semaphore_mem>>
      %dma_start3A = arith.constant 0 : i32
      %dma_start3A_48 = tpu.memref_slice %arg7[%dma_start3A] : memref<320xf32, #tpu.memory_space<vmem>> -> memref<32xf32, #tpu.memory_space<vmem>>
      %dma_start3A_49 = tpu.memref_slice %arg4[%add3A_29] : memref<10240xf32, #tpu.memory_space<hbm>> -> memref<32xf32, #tpu.memory_space<hbm>>
      %dma_start3A_50 = tpu.memref_slice %arg4[%add3A_29] : memref<10240xf32, #tpu.memory_space<hbm>> -> memref<32xf32, #tpu.memory_space<hbm>>
      %dma_start3A_51 = arith.constant 0 : i32
      %dma_start3A_52 = tpu.memref_slice %arg7[%dma_start3A_51] : memref<320xf32, #tpu.memory_space<vmem>> -> memref<32xf32, #tpu.memory_space<vmem>>
      tpu.enqueue_dma source(%dma_start3A_52 : memref<32xf32, #tpu.memory_space<vmem>>) target(%dma_start3A_50 : memref<32xf32, #tpu.memory_space<hbm>>) target_semaphore(%run_scoped3A : memref<!tpu.dma_semaphore, #tpu.memory_space<semaphore_mem>>)
      %dma_wait3A = arith.constant 0 : i32
      %dma_wait3A_53 = tpu.memref_slice %arg7[%dma_wait3A] : memref<320xf32, #tpu.memory_space<vmem>> -> memref<32xf32, #tpu.memory_space<vmem>>
      %dma_wait3A_54 = tpu.memref_slice %arg4[%add3A_29] : memref<10240xf32, #tpu.memory_space<hbm>> -> memref<32xf32, #tpu.memory_space<hbm>>
      %dma_wait3A_55 = tpu.memref_slice %arg4[%add3A_29] : memref<10240xf32, #tpu.memory_space<hbm>> -> memref<32xf32, #tpu.memory_space<hbm>>
      %dma_wait3A_56 = arith.constant 0 : i32
      %dma_wait3A_57 = tpu.memref_slice %arg7[%dma_wait3A_56] : memref<320xf32, #tpu.memory_space<vmem>> -> memref<32xf32, #tpu.memory_space<vmem>>
      tpu.wait_dma2 semaphore(%run_scoped3A : memref<!tpu.dma_semaphore, #tpu.memory_space<semaphore_mem>>) src(%dma_wait3A_57 : memref<32xf32, #tpu.memory_space<vmem>>) dst(%dma_wait3A_55 : memref<32xf32, #tpu.memory_space<hbm>>)
      tpu.yield
    }) : () -> ()
    %add3A_30 = arith.constant 1024 : i32
    %add3A_31 = arith.addi %add3A_30, %mul3A_2 : i32
    "tpu.region"() ({
      %run_scoped3A = tpu.sem_alloc : memref<!tpu.dma_semaphore, #tpu.memory_space<semaphore_mem>>
      %dma_start3A = arith.constant 32 : i32
      %dma_start3A_48 = tpu.memref_slice %arg7[%dma_start3A] : memref<320xf32, #tpu.memory_space<vmem>> -> memref<32xf32, #tpu.memory_space<vmem>>
      %dma_start3A_49 = tpu.memref_slice %arg4[%add3A_31] : memref<10240xf32, #tpu.memory_space<hbm>> -> memref<32xf32, #tpu.memory_space<hbm>>
      %dma_start3A_50 = tpu.memref_slice %arg4[%add3A_31] : memref<10240xf32, #tpu.memory_space<hbm>> -> memref<32xf32, #tpu.memory_space<hbm>>
      %dma_start3A_51 = arith.constant 32 : i32
      %dma_start3A_52 = tpu.memref_slice %arg7[%dma_start3A_51] : memref<320xf32, #tpu.memory_space<vmem>> -> memref<32xf32, #tpu.memory_space<vmem>>
      tpu.enqueue_dma source(%dma_start3A_52 : memref<32xf32, #tpu.memory_space<vmem>>) target(%dma_start3A_50 : memref<32xf32, #tpu.memory_space<hbm>>) target_semaphore(%run_scoped3A : memref<!tpu.dma_semaphore, #tpu.memory_space<semaphore_mem>>)
      %dma_wait3A = arith.constant 32 : i32
      %dma_wait3A_53 = tpu.memref_slice %arg7[%dma_wait3A] : memref<320xf32, #tpu.memory_space<vmem>> -> memref<32xf32, #tpu.memory_space<vmem>>
      %dma_wait3A_54 = tpu.memref_slice %arg4[%add3A_31] : memref<10240xf32, #tpu.memory_space<hbm>> -> memref<32xf32, #tpu.memory_space<hbm>>
      %dma_wait3A_55 = tpu.memref_slice %arg4[%add3A_31] : memref<10240xf32, #tpu.memory_space<hbm>> -> memref<32xf32, #tpu.memory_space<hbm>>
      %dma_wait3A_56 = arith.constant 32 : i32
      %dma_wait3A_57 = tpu.memref_slice %arg7[%dma_wait3A_56] : memref<320xf32, #tpu.memory_space<vmem>> -> memref<32xf32, #tpu.memory_space<vmem>>
      tpu.wait_dma2 semaphore(%run_scoped3A : memref<!tpu.dma_semaphore, #tpu.memory_space<semaphore_mem>>) src(%dma_wait3A_57 : memref<32xf32, #tpu.memory_space<vmem>>) dst(%dma_wait3A_55 : memref<32xf32, #tpu.memory_space<hbm>>)
      tpu.yield
    }) : () -> ()
    %add3A_32 = arith.constant 2048 : i32
    %add3A_33 = arith.addi %add3A_32, %mul3A_2 : i32
    "tpu.region"() ({
      %run_scoped3A = tpu.sem_alloc : memref<!tpu.dma_semaphore, #tpu.memory_space<semaphore_mem>>
      %dma_start3A = arith.constant 64 : i32
      %dma_start3A_48 = tpu.memref_slice %arg7[%dma_start3A] : memref<320xf32, #tpu.memory_space<vmem>> -> memref<32xf32, #tpu.memory_space<vmem>>
      %dma_start3A_49 = tpu.memref_slice %arg4[%add3A_33] : memref<10240xf32, #tpu.memory_space<hbm>> -> memref<32xf32, #tpu.memory_space<hbm>>
      %dma_start3A_50 = tpu.memref_slice %arg4[%add3A_33] : memref<10240xf32, #tpu.memory_space<hbm>> -> memref<32xf32, #tpu.memory_space<hbm>>
      %dma_start3A_51 = arith.constant 64 : i32
      %dma_start3A_52 = tpu.memref_slice %arg7[%dma_start3A_51] : memref<320xf32, #tpu.memory_space<vmem>> -> memref<32xf32, #tpu.memory_space<vmem>>
      tpu.enqueue_dma source(%dma_start3A_52 : memref<32xf32, #tpu.memory_space<vmem>>) target(%dma_start3A_50 : memref<32xf32, #tpu.memory_space<hbm>>) target_semaphore(%run_scoped3A : memref<!tpu.dma_semaphore, #tpu.memory_space<semaphore_mem>>)
      %dma_wait3A = arith.constant 64 : i32
      %dma_wait3A_53 = tpu.memref_slice %arg7[%dma_wait3A] : memref<320xf32, #tpu.memory_space<vmem>> -> memref<32xf32, #tpu.memory_space<vmem>>
      %dma_wait3A_54 = tpu.memref_slice %arg4[%add3A_33] : memref<10240xf32, #tpu.memory_space<hbm>> -> memref<32xf32, #tpu.memory_space<hbm>>
      %dma_wait3A_55 = tpu.memref_slice %arg4[%add3A_33] : memref<10240xf32, #tpu.memory_space<hbm>> -> memref<32xf32, #tpu.memory_space<hbm>>
      %dma_wait3A_56 = arith.constant 64 : i32
      %dma_wait3A_57 = tpu.memref_slice %arg7[%dma_wait3A_56] : memref<320xf32, #tpu.memory_space<vmem>> -> memref<32xf32, #tpu.memory_space<vmem>>
      tpu.wait_dma2 semaphore(%run_scoped3A : memref<!tpu.dma_semaphore, #tpu.memory_space<semaphore_mem>>) src(%dma_wait3A_57 : memref<32xf32, #tpu.memory_space<vmem>>) dst(%dma_wait3A_55 : memref<32xf32, #tpu.memory_space<hbm>>)
      tpu.yield
    }) : () -> ()
    %add3A_34 = arith.constant 3072 : i32
    %add3A_35 = arith.addi %add3A_34, %mul3A_2 : i32
    "tpu.region"() ({
      %run_scoped3A = tpu.sem_alloc : memref<!tpu.dma_semaphore, #tpu.memory_space<semaphore_mem>>
      %dma_start3A = arith.constant 96 : i32
      %dma_start3A_48 = tpu.memref_slice %arg7[%dma_start3A] : memref<320xf32, #tpu.memory_space<vmem>> -> memref<32xf32, #tpu.memory_space<vmem>>
      %dma_start3A_49 = tpu.memref_slice %arg4[%add3A_35] : memref<10240xf32, #tpu.memory_space<hbm>> -> memref<32xf32, #tpu.memory_space<hbm>>
      %dma_start3A_50 = tpu.memref_slice %arg4[%add3A_35] : memref<10240xf32, #tpu.memory_space<hbm>> -> memref<32xf32, #tpu.memory_space<hbm>>
      %dma_start3A_51 = arith.constant 96 : i32
      %dma_start3A_52 = tpu.memref_slice %arg7[%dma_start3A_51] : memref<320xf32, #tpu.memory_space<vmem>> -> memref<32xf32, #tpu.memory_space<vmem>>
      tpu.enqueue_dma source(%dma_start3A_52 : memref<32xf32, #tpu.memory_space<vmem>>) target(%dma_start3A_50 : memref<32xf32, #tpu.memory_space<hbm>>) target_semaphore(%run_scoped3A : memref<!tpu.dma_semaphore, #tpu.memory_space<semaphore_mem>>)
      %dma_wait3A = arith.constant 96 : i32
      %dma_wait3A_53 = tpu.memref_slice %arg7[%dma_wait3A] : memref<320xf32, #tpu.memory_space<vmem>> -> memref<32xf32, #tpu.memory_space<vmem>>
      %dma_wait3A_54 = tpu.memref_slice %arg4[%add3A_35] : memref<10240xf32, #tpu.memory_space<hbm>> -> memref<32xf32, #tpu.memory_space<hbm>>
      %dma_wait3A_55 = tpu.memref_slice %arg4[%add3A_35] : memref<10240xf32, #tpu.memory_space<hbm>> -> memref<32xf32, #tpu.memory_space<hbm>>
      %dma_wait3A_56 = arith.constant 96 : i32
      %dma_wait3A_57 = tpu.memref_slice %arg7[%dma_wait3A_56] : memref<320xf32, #tpu.memory_space<vmem>> -> memref<32xf32, #tpu.memory_space<vmem>>
      tpu.wait_dma2 semaphore(%run_scoped3A : memref<!tpu.dma_semaphore, #tpu.memory_space<semaphore_mem>>) src(%dma_wait3A_57 : memref<32xf32, #tpu.memory_space<vmem>>) dst(%dma_wait3A_55 : memref<32xf32, #tpu.memory_space<hbm>>)
      tpu.yield
    }) : () -> ()
    %add3A_36 = arith.constant 4096 : i32
    %add3A_37 = arith.addi %add3A_36, %mul3A_2 : i32
    "tpu.region"() ({
      %run_scoped3A = tpu.sem_alloc : memref<!tpu.dma_semaphore, #tpu.memory_space<semaphore_mem>>
      %dma_start3A = arith.constant 128 : i32
      %dma_start3A_48 = tpu.memref_slice %arg7[%dma_start3A] : memref<320xf32, #tpu.memory_space<vmem>> -> memref<32xf32, #tpu.memory_space<vmem>>
      %dma_start3A_49 = tpu.memref_slice %arg4[%add3A_37] : memref<10240xf32, #tpu.memory_space<hbm>> -> memref<32xf32, #tpu.memory_space<hbm>>
      %dma_start3A_50 = tpu.memref_slice %arg4[%add3A_37] : memref<10240xf32, #tpu.memory_space<hbm>> -> memref<32xf32, #tpu.memory_space<hbm>>
      %dma_start3A_51 = arith.constant 128 : i32
      %dma_start3A_52 = tpu.memref_slice %arg7[%dma_start3A_51] : memref<320xf32, #tpu.memory_space<vmem>> -> memref<32xf32, #tpu.memory_space<vmem>>
      tpu.enqueue_dma source(%dma_start3A_52 : memref<32xf32, #tpu.memory_space<vmem>>) target(%dma_start3A_50 : memref<32xf32, #tpu.memory_space<hbm>>) target_semaphore(%run_scoped3A : memref<!tpu.dma_semaphore, #tpu.memory_space<semaphore_mem>>)
      %dma_wait3A = arith.constant 128 : i32
      %dma_wait3A_53 = tpu.memref_slice %arg7[%dma_wait3A] : memref<320xf32, #tpu.memory_space<vmem>> -> memref<32xf32, #tpu.memory_space<vmem>>
      %dma_wait3A_54 = tpu.memref_slice %arg4[%add3A_37] : memref<10240xf32, #tpu.memory_space<hbm>> -> memref<32xf32, #tpu.memory_space<hbm>>
      %dma_wait3A_55 = tpu.memref_slice %arg4[%add3A_37] : memref<10240xf32, #tpu.memory_space<hbm>> -> memref<32xf32, #tpu.memory_space<hbm>>
      %dma_wait3A_56 = arith.constant 128 : i32
      %dma_wait3A_57 = tpu.memref_slice %arg7[%dma_wait3A_56] : memref<320xf32, #tpu.memory_space<vmem>> -> memref<32xf32, #tpu.memory_space<vmem>>
      tpu.wait_dma2 semaphore(%run_scoped3A : memref<!tpu.dma_semaphore, #tpu.memory_space<semaphore_mem>>) src(%dma_wait3A_57 : memref<32xf32, #tpu.memory_space<vmem>>) dst(%dma_wait3A_55 : memref<32xf32, #tpu.memory_space<hbm>>)
      tpu.yield
    }) : () -> ()
    %add3A_38 = arith.constant 5120 : i32
    %add3A_39 = arith.addi %add3A_38, %mul3A_2 : i32
    "tpu.region"() ({
      %run_scoped3A = tpu.sem_alloc : memref<!tpu.dma_semaphore, #tpu.memory_space<semaphore_mem>>
      %dma_start3A = arith.constant 160 : i32
      %dma_start3A_48 = tpu.memref_slice %arg7[%dma_start3A] : memref<320xf32, #tpu.memory_space<vmem>> -> memref<32xf32, #tpu.memory_space<vmem>>
      %dma_start3A_49 = tpu.memref_slice %arg4[%add3A_39] : memref<10240xf32, #tpu.memory_space<hbm>> -> memref<32xf32, #tpu.memory_space<hbm>>
      %dma_start3A_50 = tpu.memref_slice %arg4[%add3A_39] : memref<10240xf32, #tpu.memory_space<hbm>> -> memref<32xf32, #tpu.memory_space<hbm>>
      %dma_start3A_51 = arith.constant 160 : i32
      %dma_start3A_52 = tpu.memref_slice %arg7[%dma_start3A_51] : memref<320xf32, #tpu.memory_space<vmem>> -> memref<32xf32, #tpu.memory_space<vmem>>
      tpu.enqueue_dma source(%dma_start3A_52 : memref<32xf32, #tpu.memory_space<vmem>>) target(%dma_start3A_50 : memref<32xf32, #tpu.memory_space<hbm>>) target_semaphore(%run_scoped3A : memref<!tpu.dma_semaphore, #tpu.memory_space<semaphore_mem>>)
      %dma_wait3A = arith.constant 160 : i32
      %dma_wait3A_53 = tpu.memref_slice %arg7[%dma_wait3A] : memref<320xf32, #tpu.memory_space<vmem>> -> memref<32xf32, #tpu.memory_space<vmem>>
      %dma_wait3A_54 = tpu.memref_slice %arg4[%add3A_39] : memref<10240xf32, #tpu.memory_space<hbm>> -> memref<32xf32, #tpu.memory_space<hbm>>
      %dma_wait3A_55 = tpu.memref_slice %arg4[%add3A_39] : memref<10240xf32, #tpu.memory_space<hbm>> -> memref<32xf32, #tpu.memory_space<hbm>>
      %dma_wait3A_56 = arith.constant 160 : i32
      %dma_wait3A_57 = tpu.memref_slice %arg7[%dma_wait3A_56] : memref<320xf32, #tpu.memory_space<vmem>> -> memref<32xf32, #tpu.memory_space<vmem>>
      tpu.wait_dma2 semaphore(%run_scoped3A : memref<!tpu.dma_semaphore, #tpu.memory_space<semaphore_mem>>) src(%dma_wait3A_57 : memref<32xf32, #tpu.memory_space<vmem>>) dst(%dma_wait3A_55 : memref<32xf32, #tpu.memory_space<hbm>>)
      tpu.yield
    }) : () -> ()
    %add3A_40 = arith.constant 6144 : i32
    %add3A_41 = arith.addi %add3A_40, %mul3A_2 : i32
    "tpu.region"() ({
      %run_scoped3A = tpu.sem_alloc : memref<!tpu.dma_semaphore, #tpu.memory_space<semaphore_mem>>
      %dma_start3A = arith.constant 192 : i32
      %dma_start3A_48 = tpu.memref_slice %arg7[%dma_start3A] : memref<320xf32, #tpu.memory_space<vmem>> -> memref<32xf32, #tpu.memory_space<vmem>>
      %dma_start3A_49 = tpu.memref_slice %arg4[%add3A_41] : memref<10240xf32, #tpu.memory_space<hbm>> -> memref<32xf32, #tpu.memory_space<hbm>>
      %dma_start3A_50 = tpu.memref_slice %arg4[%add3A_41] : memref<10240xf32, #tpu.memory_space<hbm>> -> memref<32xf32, #tpu.memory_space<hbm>>
      %dma_start3A_51 = arith.constant 192 : i32
      %dma_start3A_52 = tpu.memref_slice %arg7[%dma_start3A_51] : memref<320xf32, #tpu.memory_space<vmem>> -> memref<32xf32, #tpu.memory_space<vmem>>
      tpu.enqueue_dma source(%dma_start3A_52 : memref<32xf32, #tpu.memory_space<vmem>>) target(%dma_start3A_50 : memref<32xf32, #tpu.memory_space<hbm>>) target_semaphore(%run_scoped3A : memref<!tpu.dma_semaphore, #tpu.memory_space<semaphore_mem>>)
      %dma_wait3A = arith.constant 192 : i32
      %dma_wait3A_53 = tpu.memref_slice %arg7[%dma_wait3A] : memref<320xf32, #tpu.memory_space<vmem>> -> memref<32xf32, #tpu.memory_space<vmem>>
      %dma_wait3A_54 = tpu.memref_slice %arg4[%add3A_41] : memref<10240xf32, #tpu.memory_space<hbm>> -> memref<32xf32, #tpu.memory_space<hbm>>
      %dma_wait3A_55 = tpu.memref_slice %arg4[%add3A_41] : memref<10240xf32, #tpu.memory_space<hbm>> -> memref<32xf32, #tpu.memory_space<hbm>>
      %dma_wait3A_56 = arith.constant 192 : i32
      %dma_wait3A_57 = tpu.memref_slice %arg7[%dma_wait3A_56] : memref<320xf32, #tpu.memory_space<vmem>> -> memref<32xf32, #tpu.memory_space<vmem>>
      tpu.wait_dma2 semaphore(%run_scoped3A : memref<!tpu.dma_semaphore, #tpu.memory_space<semaphore_mem>>) src(%dma_wait3A_57 : memref<32xf32, #tpu.memory_space<vmem>>) dst(%dma_wait3A_55 : memref<32xf32, #tpu.memory_space<hbm>>)
      tpu.yield
    }) : () -> ()
    %add3A_42 = arith.constant 7168 : i32
    %add3A_43 = arith.addi %add3A_42, %mul3A_2 : i32
    "tpu.region"() ({
      %run_scoped3A = tpu.sem_alloc : memref<!tpu.dma_semaphore, #tpu.memory_space<semaphore_mem>>
      %dma_start3A = arith.constant 224 : i32
      %dma_start3A_48 = tpu.memref_slice %arg7[%dma_start3A] : memref<320xf32, #tpu.memory_space<vmem>> -> memref<32xf32, #tpu.memory_space<vmem>>
      %dma_start3A_49 = tpu.memref_slice %arg4[%add3A_43] : memref<10240xf32, #tpu.memory_space<hbm>> -> memref<32xf32, #tpu.memory_space<hbm>>
      %dma_start3A_50 = tpu.memref_slice %arg4[%add3A_43] : memref<10240xf32, #tpu.memory_space<hbm>> -> memref<32xf32, #tpu.memory_space<hbm>>
      %dma_start3A_51 = arith.constant 224 : i32
      %dma_start3A_52 = tpu.memref_slice %arg7[%dma_start3A_51] : memref<320xf32, #tpu.memory_space<vmem>> -> memref<32xf32, #tpu.memory_space<vmem>>
      tpu.enqueue_dma source(%dma_start3A_52 : memref<32xf32, #tpu.memory_space<vmem>>) target(%dma_start3A_50 : memref<32xf32, #tpu.memory_space<hbm>>) target_semaphore(%run_scoped3A : memref<!tpu.dma_semaphore, #tpu.memory_space<semaphore_mem>>)
      %dma_wait3A = arith.constant 224 : i32
      %dma_wait3A_53 = tpu.memref_slice %arg7[%dma_wait3A] : memref<320xf32, #tpu.memory_space<vmem>> -> memref<32xf32, #tpu.memory_space<vmem>>
      %dma_wait3A_54 = tpu.memref_slice %arg4[%add3A_43] : memref<10240xf32, #tpu.memory_space<hbm>> -> memref<32xf32, #tpu.memory_space<hbm>>
      %dma_wait3A_55 = tpu.memref_slice %arg4[%add3A_43] : memref<10240xf32, #tpu.memory_space<hbm>> -> memref<32xf32, #tpu.memory_space<hbm>>
      %dma_wait3A_56 = arith.constant 224 : i32
      %dma_wait3A_57 = tpu.memref_slice %arg7[%dma_wait3A_56] : memref<320xf32, #tpu.memory_space<vmem>> -> memref<32xf32, #tpu.memory_space<vmem>>
      tpu.wait_dma2 semaphore(%run_scoped3A : memref<!tpu.dma_semaphore, #tpu.memory_space<semaphore_mem>>) src(%dma_wait3A_57 : memref<32xf32, #tpu.memory_space<vmem>>) dst(%dma_wait3A_55 : memref<32xf32, #tpu.memory_space<hbm>>)
      tpu.yield
    }) : () -> ()
    %add3A_44 = arith.constant 8192 : i32
    %add3A_45 = arith.addi %add3A_44, %mul3A_2 : i32
    "tpu.region"() ({
      %run_scoped3A = tpu.sem_alloc : memref<!tpu.dma_semaphore, #tpu.memory_space<semaphore_mem>>
      %dma_start3A = arith.constant 256 : i32
      %dma_start3A_48 = tpu.memref_slice %arg7[%dma_start3A] : memref<320xf32, #tpu.memory_space<vmem>> -> memref<32xf32, #tpu.memory_space<vmem>>
      %dma_start3A_49 = tpu.memref_slice %arg4[%add3A_45] : memref<10240xf32, #tpu.memory_space<hbm>> -> memref<32xf32, #tpu.memory_space<hbm>>
      %dma_start3A_50 = tpu.memref_slice %arg4[%add3A_45] : memref<10240xf32, #tpu.memory_space<hbm>> -> memref<32xf32, #tpu.memory_space<hbm>>
      %dma_start3A_51 = arith.constant 256 : i32
      %dma_start3A_52 = tpu.memref_slice %arg7[%dma_start3A_51] : memref<320xf32, #tpu.memory_space<vmem>> -> memref<32xf32, #tpu.memory_space<vmem>>
      tpu.enqueue_dma source(%dma_start3A_52 : memref<32xf32, #tpu.memory_space<vmem>>) target(%dma_start3A_50 : memref<32xf32, #tpu.memory_space<hbm>>) target_semaphore(%run_scoped3A : memref<!tpu.dma_semaphore, #tpu.memory_space<semaphore_mem>>)
      %dma_wait3A = arith.constant 256 : i32
      %dma_wait3A_53 = tpu.memref_slice %arg7[%dma_wait3A] : memref<320xf32, #tpu.memory_space<vmem>> -> memref<32xf32, #tpu.memory_space<vmem>>
      %dma_wait3A_54 = tpu.memref_slice %arg4[%add3A_45] : memref<10240xf32, #tpu.memory_space<hbm>> -> memref<32xf32, #tpu.memory_space<hbm>>
      %dma_wait3A_55 = tpu.memref_slice %arg4[%add3A_45] : memref<10240xf32, #tpu.memory_space<hbm>> -> memref<32xf32, #tpu.memory_space<hbm>>
      %dma_wait3A_56 = arith.constant 256 : i32
      %dma_wait3A_57 = tpu.memref_slice %arg7[%dma_wait3A_56] : memref<320xf32, #tpu.memory_space<vmem>> -> memref<32xf32, #tpu.memory_space<vmem>>
      tpu.wait_dma2 semaphore(%run_scoped3A : memref<!tpu.dma_semaphore, #tpu.memory_space<semaphore_mem>>) src(%dma_wait3A_57 : memref<32xf32, #tpu.memory_space<vmem>>) dst(%dma_wait3A_55 : memref<32xf32, #tpu.memory_space<hbm>>)
      tpu.yield
    }) : () -> ()
    %add3A_46 = arith.constant 9216 : i32
    %add3A_47 = arith.addi %add3A_46, %mul3A_2 : i32
    "tpu.region"() ({
      %run_scoped3A = tpu.sem_alloc : memref<!tpu.dma_semaphore, #tpu.memory_space<semaphore_mem>>
      %dma_start3A = arith.constant 288 : i32
      %dma_start3A_48 = tpu.memref_slice %arg7[%dma_start3A] : memref<320xf32, #tpu.memory_space<vmem>> -> memref<32xf32, #tpu.memory_space<vmem>>
      %dma_start3A_49 = tpu.memref_slice %arg4[%add3A_47] : memref<10240xf32, #tpu.memory_space<hbm>> -> memref<32xf32, #tpu.memory_space<hbm>>
      %dma_start3A_50 = tpu.memref_slice %arg4[%add3A_47] : memref<10240xf32, #tpu.memory_space<hbm>> -> memref<32xf32, #tpu.memory_space<hbm>>
      %dma_start3A_51 = arith.constant 288 : i32
      %dma_start3A_52 = tpu.memref_slice %arg7[%dma_start3A_51] : memref<320xf32, #tpu.memory_space<vmem>> -> memref<32xf32, #tpu.memory_space<vmem>>
      tpu.enqueue_dma source(%dma_start3A_52 : memref<32xf32, #tpu.memory_space<vmem>>) target(%dma_start3A_50 : memref<32xf32, #tpu.memory_space<hbm>>) target_semaphore(%run_scoped3A : memref<!tpu.dma_semaphore, #tpu.memory_space<semaphore_mem>>)
      %dma_wait3A = arith.constant 288 : i32
      %dma_wait3A_53 = tpu.memref_slice %arg7[%dma_wait3A] : memref<320xf32, #tpu.memory_space<vmem>> -> memref<32xf32, #tpu.memory_space<vmem>>
      %dma_wait3A_54 = tpu.memref_slice %arg4[%add3A_47] : memref<10240xf32, #tpu.memory_space<hbm>> -> memref<32xf32, #tpu.memory_space<hbm>>
      %dma_wait3A_55 = tpu.memref_slice %arg4[%add3A_47] : memref<10240xf32, #tpu.memory_space<hbm>> -> memref<32xf32, #tpu.memory_space<hbm>>
      %dma_wait3A_56 = arith.constant 288 : i32
      %dma_wait3A_57 = tpu.memref_slice %arg7[%dma_wait3A_56] : memref<320xf32, #tpu.memory_space<vmem>> -> memref<32xf32, #tpu.memory_space<vmem>>
      tpu.wait_dma2 semaphore(%run_scoped3A : memref<!tpu.dma_semaphore, #tpu.memory_space<semaphore_mem>>) src(%dma_wait3A_57 : memref<32xf32, #tpu.memory_space<vmem>>) dst(%dma_wait3A_55 : memref<32xf32, #tpu.memory_space<hbm>>)
      tpu.yield
    }) : () -> ()
    return
  }
}

module attributes {stable_mosaic.version = 14 : i64} {
  func.func @_body(%arg0: i32, %arg1: memref<1024x32xf32, #tpu.memory_space<vmem>>, %arg2: memref<2048x32xf32, #tpu.memory_space<vmem>>, %arg3: memref<1x1x2048xi32, #tpu.memory_space<vmem>>, %arg4: memref<1024x16xf32, #tpu.memory_space<vmem>>, %arg5: memref<1024x16xf32, #tpu.memory_space<vmem>>, %arg6: memref<1024x16xf32, #tpu.memory_space<vmem>>, %arg7: memref<1024x16xf32, #tpu.memory_space<vmem>>) attributes {dimension_semantics = [#tpu.dimension_semantics<arbitrary>], iteration_bounds = array<i64: 49>, scalar_prefetch = 0 : i64, scratch_operands = 2 : i64, tpu.core_type = #tpu.core_type<tc>, window_params = [{pipeline_mode = #tpu.pipeline_mode<synchronous>, transform_indices = @transform_0, window_bounds = array<i64: 1024, 32>}, {transform_indices = @transform_1, window_bounds = array<i64: 2048, 32>}, {transform_indices = @transform_2, window_bounds = array<i64: 1, 1, 2048>}, {pipeline_mode = #tpu.pipeline_mode<synchronous>, transform_indices = @transform_3, window_bounds = array<i64: 1024, 16>}, {pipeline_mode = #tpu.pipeline_mode<synchronous>, transform_indices = @transform_4, window_bounds = array<i64: 1024, 16>}]} {
    %eq3A = arith.constant 0 : i32
    %eq3A_0 = arith.cmpi eq, %arg0, %eq3A : i32
    %convert_element_type3A = arith.extui %eq3A_0 : i1 to i32
    %cond3A = arith.constant 0 : i32
    %cond3A_1 = arith.cmpi ne, %convert_element_type3A, %cond3A : i32
    scf.if %cond3A_1 {
      %broadcast_in_dim3A_220 = arith.constant 0x7F800000 : f32
      %broadcast_in_dim3A_221 = vector.broadcast %broadcast_in_dim3A_220 : f32 to vector<1024x16xf32>
      %swap3A_222 = arith.constant 0 : index
      %swap3A_223 = arith.constant 0 : index
      %swap3A_224 = vector.load %arg6[%swap3A_222, %swap3A_223] : memref<1024x16xf32, #tpu.memory_space<vmem>>, vector<1024x16xf32>
      tpu.vector_store %arg6[%swap3A_222, %swap3A_223], %broadcast_in_dim3A_221 {strides = array<i32>} : memref<1024x16xf32, #tpu.memory_space<vmem>>, vector<1024x16xf32>,
      %broadcast_in_dim3A_225 = arith.constant 0x7F800000 : f32
      %broadcast_in_dim3A_226 = vector.broadcast %broadcast_in_dim3A_225 : f32 to vector<1024x16xf32>
      %swap3A_227 = arith.constant 0 : index
      %swap3A_228 = arith.constant 0 : index
      %swap3A_229 = vector.load %arg7[%swap3A_227, %swap3A_228] : memref<1024x16xf32, #tpu.memory_space<vmem>>, vector<1024x16xf32>
      tpu.vector_store %arg7[%swap3A_227, %swap3A_228], %broadcast_in_dim3A_226 {strides = array<i32>} : memref<1024x16xf32, #tpu.memory_space<vmem>>, vector<1024x16xf32>,
    } else {
    }
    %get3A = arith.constant 0 : index
    %get3A_2 = arith.constant 0 : index
    %get3A_3 = vector.load %arg1[%get3A, %get3A_2] : memref<1024x32xf32, #tpu.memory_space<vmem>>, vector<1024x32xf32>
    %mul3A = arith.mulf %get3A_3, %get3A_3 : vector<1024x32xf32>
    %reduce_sum3A = arith.constant dense<0.000000e+00> : vector<1024xf32>
    %reduce_sum3A_4 = vector.multi_reduction <add>, %mul3A, %reduce_sum3A [1] : vector<1024x32xf32> to vector<1024xf32>
    %broadcast_in_dim3A = vector.shape_cast %reduce_sum3A_4 : vector<1024xf32> to vector<1024x1xf32>
    %get3A_5 = arith.constant 0 : index
    %get3A_6 = arith.constant 0 : index
    %get3A_7 = vector.load %arg2[%get3A_5, %get3A_6] : memref<2048x32xf32, #tpu.memory_space<vmem>>, vector<2048x32xf32>
    %mul3A_8 = arith.mulf %get3A_7, %get3A_7 : vector<2048x32xf32>
    %reduce_sum3A_9 = arith.constant dense<0.000000e+00> : vector<2048xf32>
    %reduce_sum3A_10 = vector.multi_reduction <add>, %mul3A_8, %reduce_sum3A_9 [1] : vector<2048x32xf32> to vector<2048xf32>
    %reshape3A = vector.shape_cast %reduce_sum3A_10 : vector<2048xf32> to vector<1x2048xf32>
    %iota3A = tpu.iota {dimensions = array<i32: 1>} : vector<1x2048xi32>
    %mul3A_11 = arith.constant 2048 : i32
    %mul3A_12 = arith.muli %arg0, %mul3A_11 : i32
    %add3A = vector.broadcast %mul3A_12 : i32 to vector<1x2048xi32>
    %add3A_13 = arith.addi %add3A, %iota3A : vector<1x2048xi32>
    %lt3A = arith.constant 100000 : i32
    %lt3A_14 = vector.broadcast %lt3A : i32 to vector<1x2048xi32>
    %lt3A_15 = arith.cmpi slt, %add3A_13, %lt3A_14 : vector<1x2048xi32>
    %jit3A = arith.constant 0x7F800000 : f32
    %broadcast_in_dim3A_16 = vector.broadcast %jit3A : f32 to vector<1x2048xf32>
    %select_n3A = arith.select %lt3A_15, %reshape3A, %broadcast_in_dim3A_16 : vector<1x2048xi1>, vector<1x2048xf32>
    %dot_general3A = arith.constant dense<0.000000e+00> : vector<1024x2048xf32>
    %dot_general3A_17 = tpu.matmul %get3A_3, %get3A_7, %dot_general3A {dimension_numbers = #tpu.dot_dimension_numbers<[1], [1], [0], [0], [0, 0, 1, 0], [], []>, transpose_lhs_hint = false} : vector<1024x32xf32>, vector<2048x32xf32>, vector<1024x2048xf32> -> vector<1024x2048xf32>
    %add3A_18 = vector.broadcast %broadcast_in_dim3A : vector<1024x1xf32> to vector<1024x2048xf32>
    %add3A_19 = vector.broadcast %select_n3A : vector<1x2048xf32> to vector<1024x2048xf32>
    %add3A_20 = arith.addf %add3A_18, %add3A_19 : vector<1024x2048xf32>
    %mul3A_21 = arith.constant 2.000000e+00 : f32
    %mul3A_22 = vector.broadcast %mul3A_21 : f32 to vector<1024x2048xf32>
    %mul3A_23 = arith.mulf %mul3A_22, %dot_general3A_17 : vector<1024x2048xf32>
    %sub3A = arith.subf %add3A_20, %mul3A_23 : vector<1024x2048xf32>
    %max3A = arith.constant 0.000000e+00 : f32
    %max3A_24 = vector.broadcast %max3A : f32 to vector<1024x2048xf32>
    %max3A_25 = arith.maximumf %sub3A, %max3A_24 : vector<1024x2048xf32>
    %get3A_26 = arith.constant 0 : index
    %get3A_27 = arith.constant 0 : index
    %get3A_28 = arith.constant 0 : index
    %get3A_29 = vector.load %arg3[%get3A_26, %get3A_27, %get3A_28] : memref<1x1x2048xi32, #tpu.memory_space<vmem>>, vector<1x1x2048xi32>
    %get3A_30 = vector.shape_cast %get3A_29 : vector<1x1x2048xi32> to vector<1x2048xi32>
    %mul3A_31 = arith.constant 16 : i32
    %mul3A_32 = vector.broadcast %mul3A_31 : i32 to vector<1x2048xi32>
    %mul3A_33 = arith.muli %add3A_13, %mul3A_32 : vector<1x2048xi32>
    %add3A_34 = arith.addi %mul3A_33, %get3A_30 : vector<1x2048xi32>
    %convert_element_type3A_35 = arith.sitofp %add3A_34 : vector<1x2048xi32> to vector<1x2048xf32>
    %reduce_min3A = arith.constant dense<0x7F800000> : vector<1024xf32>
    %reduce_min3A_36 = vector.multi_reduction <minimumf>, %max3A_25, %reduce_min3A [1] : vector<1024x2048xf32> to vector<1024xf32>
    %broadcast_in_dim3A_37 = vector.shape_cast %reduce_min3A_36 : vector<1024xf32> to vector<1024x1xf32>
    %eq3A_38 = vector.broadcast %broadcast_in_dim3A_37 : vector<1024x1xf32> to vector<1024x2048xf32>
    %eq3A_39 = arith.cmpf oeq, %max3A_25, %eq3A_38 : vector<1024x2048xf32>
    %jit3A_40 = arith.constant 0x7F800000 : f32
    %broadcast_in_dim3A_41 = vector.shape_cast %convert_element_type3A_35 : vector<1x2048xf32> to vector<1x2048xf32>
    %broadcast_in_dim3A_42 = vector.broadcast %broadcast_in_dim3A_41 : vector<1x2048xf32> to vector<1024x2048xf32>
    %broadcast_in_dim3A_43 = vector.broadcast %jit3A_40 : f32 to vector<1024x2048xf32>
    %select_n3A_44 = arith.select %eq3A_39, %broadcast_in_dim3A_42, %broadcast_in_dim3A_43 : vector<1024x2048xi1>, vector<1024x2048xf32>
    %reduce_min3A_45 = arith.constant dense<0x7F800000> : vector<1024xf32>
    %reduce_min3A_46 = vector.multi_reduction <minimumf>, %select_n3A_44, %reduce_min3A_45 [1] : vector<1024x2048xf32> to vector<1024xf32>
    %broadcast_in_dim3A_47 = vector.shape_cast %reduce_min3A_46 : vector<1024xf32> to vector<1024x1xf32>
    %eq3A_48 = vector.broadcast %convert_element_type3A_35 : vector<1x2048xf32> to vector<1024x2048xf32>
    %eq3A_49 = vector.broadcast %broadcast_in_dim3A_47 : vector<1024x1xf32> to vector<1024x2048xf32>
    %eq3A_50 = arith.cmpf oeq, %eq3A_48, %eq3A_49 : vector<1024x2048xf32>
    %jit3A_51 = arith.constant 0x7F800000 : f32
    %broadcast_in_dim3A_52 = vector.broadcast %jit3A_51 : f32 to vector<1024x2048xf32>
    %select_n3A_53 = arith.select %eq3A_50, %broadcast_in_dim3A_52, %max3A_25 : vector<1024x2048xi1>, vector<1024x2048xf32>
    %reduce_min3A_54 = arith.constant dense<0x7F800000> : vector<1024xf32>
    %reduce_min3A_55 = vector.multi_reduction <minimumf>, %select_n3A_53, %reduce_min3A_54 [1] : vector<1024x2048xf32> to vector<1024xf32>
    %broadcast_in_dim3A_56 = vector.shape_cast %reduce_min3A_55 : vector<1024xf32> to vector<1024x1xf32>
    %eq3A_57 = vector.broadcast %broadcast_in_dim3A_56 : vector<1024x1xf32> to vector<1024x2048xf32>
    %eq3A_58 = arith.cmpf oeq, %select_n3A_53, %eq3A_57 : vector<1024x2048xf32>
    %jit3A_59 = arith.constant 0x7F800000 : f32
    %broadcast_in_dim3A_60 = vector.shape_cast %convert_element_type3A_35 : vector<1x2048xf32> to vector<1x2048xf32>
    %broadcast_in_dim3A_61 = vector.broadcast %broadcast_in_dim3A_60 : vector<1x2048xf32> to vector<1024x2048xf32>
    %broadcast_in_dim3A_62 = vector.broadcast %jit3A_59 : f32 to vector<1024x2048xf32>
    %select_n3A_63 = arith.select %eq3A_58, %broadcast_in_dim3A_61, %broadcast_in_dim3A_62 : vector<1024x2048xi1>, vector<1024x2048xf32>
    %reduce_min3A_64 = arith.constant dense<0x7F800000> : vector<1024xf32>
    %reduce_min3A_65 = vector.multi_reduction <minimumf>, %select_n3A_63, %reduce_min3A_64 [1] : vector<1024x2048xf32> to vector<1024xf32>
    %broadcast_in_dim3A_66 = vector.shape_cast %reduce_min3A_65 : vector<1024xf32> to vector<1024x1xf32>
    %eq3A_67 = vector.broadcast %convert_element_type3A_35 : vector<1x2048xf32> to vector<1024x2048xf32>
    %eq3A_68 = vector.broadcast %broadcast_in_dim3A_66 : vector<1024x1xf32> to vector<1024x2048xf32>
    %eq3A_69 = arith.cmpf oeq, %eq3A_67, %eq3A_68 : vector<1024x2048xf32>
    %jit3A_70 = arith.constant 0x7F800000 : f32
    %broadcast_in_dim3A_71 = vector.broadcast %jit3A_70 : f32 to vector<1024x2048xf32>
    %select_n3A_72 = arith.select %eq3A_69, %broadcast_in_dim3A_71, %select_n3A_53 : vector<1024x2048xi1>, vector<1024x2048xf32>
    %reduce_min3A_73 = arith.constant dense<0x7F800000> : vector<1024xf32>
    %reduce_min3A_74 = vector.multi_reduction <minimumf>, %select_n3A_72, %reduce_min3A_73 [1] : vector<1024x2048xf32> to vector<1024xf32>
    %broadcast_in_dim3A_75 = vector.shape_cast %reduce_min3A_74 : vector<1024xf32> to vector<1024x1xf32>
    %eq3A_76 = vector.broadcast %broadcast_in_dim3A_75 : vector<1024x1xf32> to vector<1024x2048xf32>
    %eq3A_77 = arith.cmpf oeq, %select_n3A_72, %eq3A_76 : vector<1024x2048xf32>
    %jit3A_78 = arith.constant 0x7F800000 : f32
    %broadcast_in_dim3A_79 = vector.shape_cast %convert_element_type3A_35 : vector<1x2048xf32> to vector<1x2048xf32>
    %broadcast_in_dim3A_80 = vector.broadcast %broadcast_in_dim3A_79 : vector<1x2048xf32> to vector<1024x2048xf32>
    %broadcast_in_dim3A_81 = vector.broadcast %jit3A_78 : f32 to vector<1024x2048xf32>
    %select_n3A_82 = arith.select %eq3A_77, %broadcast_in_dim3A_80, %broadcast_in_dim3A_81 : vector<1024x2048xi1>, vector<1024x2048xf32>
    %reduce_min3A_83 = arith.constant dense<0x7F800000> : vector<1024xf32>
    %reduce_min3A_84 = vector.multi_reduction <minimumf>, %select_n3A_82, %reduce_min3A_83 [1] : vector<1024x2048xf32> to vector<1024xf32>
    %broadcast_in_dim3A_85 = vector.shape_cast %reduce_min3A_84 : vector<1024xf32> to vector<1024x1xf32>
    %eq3A_86 = vector.broadcast %convert_element_type3A_35 : vector<1x2048xf32> to vector<1024x2048xf32>
    %eq3A_87 = vector.broadcast %broadcast_in_dim3A_85 : vector<1024x1xf32> to vector<1024x2048xf32>
    %eq3A_88 = arith.cmpf oeq, %eq3A_86, %eq3A_87 : vector<1024x2048xf32>
    %jit3A_89 = arith.constant 0x7F800000 : f32
    %broadcast_in_dim3A_90 = vector.broadcast %jit3A_89 : f32 to vector<1024x2048xf32>
    %select_n3A_91 = arith.select %eq3A_88, %broadcast_in_dim3A_90, %select_n3A_72 : vector<1024x2048xi1>, vector<1024x2048xf32>
    %reduce_min3A_92 = arith.constant dense<0x7F800000> : vector<1024xf32>
    %reduce_min3A_93 = vector.multi_reduction <minimumf>, %select_n3A_91, %reduce_min3A_92 [1] : vector<1024x2048xf32> to vector<1024xf32>
    %broadcast_in_dim3A_94 = vector.shape_cast %reduce_min3A_93 : vector<1024xf32> to vector<1024x1xf32>
    %eq3A_95 = vector.broadcast %broadcast_in_dim3A_94 : vector<1024x1xf32> to vector<1024x2048xf32>
    %eq3A_96 = arith.cmpf oeq, %select_n3A_91, %eq3A_95 : vector<1024x2048xf32>
    %jit3A_97 = arith.constant 0x7F800000 : f32
    %broadcast_in_dim3A_98 = vector.shape_cast %convert_element_type3A_35 : vector<1x2048xf32> to vector<1x2048xf32>
    %broadcast_in_dim3A_99 = vector.broadcast %broadcast_in_dim3A_98 : vector<1x2048xf32> to vector<1024x2048xf32>
    %broadcast_in_dim3A_100 = vector.broadcast %jit3A_97 : f32 to vector<1024x2048xf32>
    %select_n3A_101 = arith.select %eq3A_96, %broadcast_in_dim3A_99, %broadcast_in_dim3A_100 : vector<1024x2048xi1>, vector<1024x2048xf32>
    %reduce_min3A_102 = arith.constant dense<0x7F800000> : vector<1024xf32>
    %reduce_min3A_103 = vector.multi_reduction <minimumf>, %select_n3A_101, %reduce_min3A_102 [1] : vector<1024x2048xf32> to vector<1024xf32>
    %broadcast_in_dim3A_104 = vector.shape_cast %reduce_min3A_103 : vector<1024xf32> to vector<1024x1xf32>
    %eq3A_105 = vector.broadcast %convert_element_type3A_35 : vector<1x2048xf32> to vector<1024x2048xf32>
    %eq3A_106 = vector.broadcast %broadcast_in_dim3A_104 : vector<1024x1xf32> to vector<1024x2048xf32>
    %eq3A_107 = arith.cmpf oeq, %eq3A_105, %eq3A_106 : vector<1024x2048xf32>
    %jit3A_108 = arith.constant 0x7F800000 : f32
    %broadcast_in_dim3A_109 = vector.broadcast %jit3A_108 : f32 to vector<1024x2048xf32>
    %select_n3A_110 = arith.select %eq3A_107, %broadcast_in_dim3A_109, %select_n3A_91 : vector<1024x2048xi1>, vector<1024x2048xf32>
    %reduce_min3A_111 = arith.constant dense<0x7F800000> : vector<1024xf32>
    %reduce_min3A_112 = vector.multi_reduction <minimumf>, %select_n3A_110, %reduce_min3A_111 [1] : vector<1024x2048xf32> to vector<1024xf32>
    %broadcast_in_dim3A_113 = vector.shape_cast %reduce_min3A_112 : vector<1024xf32> to vector<1024x1xf32>
    %eq3A_114 = vector.broadcast %broadcast_in_dim3A_113 : vector<1024x1xf32> to vector<1024x2048xf32>
    %eq3A_115 = arith.cmpf oeq, %select_n3A_110, %eq3A_114 : vector<1024x2048xf32>
    %jit3A_116 = arith.constant 0x7F800000 : f32
    %broadcast_in_dim3A_117 = vector.shape_cast %convert_element_type3A_35 : vector<1x2048xf32> to vector<1x2048xf32>
    %broadcast_in_dim3A_118 = vector.broadcast %broadcast_in_dim3A_117 : vector<1x2048xf32> to vector<1024x2048xf32>
    %broadcast_in_dim3A_119 = vector.broadcast %jit3A_116 : f32 to vector<1024x2048xf32>
    %select_n3A_120 = arith.select %eq3A_115, %broadcast_in_dim3A_118, %broadcast_in_dim3A_119 : vector<1024x2048xi1>, vector<1024x2048xf32>
    %reduce_min3A_121 = arith.constant dense<0x7F800000> : vector<1024xf32>
    %reduce_min3A_122 = vector.multi_reduction <minimumf>, %select_n3A_120, %reduce_min3A_121 [1] : vector<1024x2048xf32> to vector<1024xf32>
    %broadcast_in_dim3A_123 = vector.shape_cast %reduce_min3A_122 : vector<1024xf32> to vector<1024x1xf32>
    %broadcast_in_dim3A_124 = arith.constant 0x7F800000 : f32
    %broadcast_in_dim3A_125 = vector.broadcast %broadcast_in_dim3A_124 : f32 to vector<1024x1xf32>
    %get3A_126 = arith.constant 0 : index
    %get3A_127 = arith.constant 0 : index
    %get3A_128 = vector.load %arg6[%get3A_126, %get3A_127] : memref<1024x16xf32, #tpu.memory_space<vmem>>, vector<1024x8xf32>
    %concatenate3A = tpu.concatenate %get3A_128, %broadcast_in_dim3A_37, %broadcast_in_dim3A_56, %broadcast_in_dim3A_75, %broadcast_in_dim3A_94, %broadcast_in_dim3A_113, %broadcast_in_dim3A_125, %broadcast_in_dim3A_125, %broadcast_in_dim3A_125 in 1 : vector<1024x8xf32>, vector<1024x1xf32>, vector<1024x1xf32>, vector<1024x1xf32>, vector<1024x1xf32>, vector<1024x1xf32>, vector<1024x1xf32>, vector<1024x1xf32>, vector<1024x1xf32> -> vector<1024x16xf32>
    %get3A_129 = arith.constant 0 : index
    %get3A_130 = arith.constant 0 : index
    %get3A_131 = vector.load %arg7[%get3A_129, %get3A_130] : memref<1024x16xf32, #tpu.memory_space<vmem>>, vector<1024x8xf32>
    %concatenate3A_132 = tpu.concatenate %get3A_131, %broadcast_in_dim3A_47, %broadcast_in_dim3A_66, %broadcast_in_dim3A_85, %broadcast_in_dim3A_104, %broadcast_in_dim3A_123, %broadcast_in_dim3A_125, %broadcast_in_dim3A_125, %broadcast_in_dim3A_125 in 1 : vector<1024x8xf32>, vector<1024x1xf32>, vector<1024x1xf32>, vector<1024x1xf32>, vector<1024x1xf32>, vector<1024x1xf32>, vector<1024x1xf32>, vector<1024x1xf32>, vector<1024x1xf32> -> vector<1024x16xf32>
    %reduce_min3A_133 = arith.constant dense<0x7F800000> : vector<1024xf32>
    %reduce_min3A_134 = vector.multi_reduction <minimumf>, %concatenate3A, %reduce_min3A_133 [1] : vector<1024x16xf32> to vector<1024xf32>
    %broadcast_in_dim3A_135 = vector.shape_cast %reduce_min3A_134 : vector<1024xf32> to vector<1024x1xf32>
    %eq3A_136 = vector.broadcast %broadcast_in_dim3A_135 : vector<1024x1xf32> to vector<1024x16xf32>
    %eq3A_137 = arith.cmpf oeq, %concatenate3A, %eq3A_136 : vector<1024x16xf32>
    %jit3A_138 = arith.constant 0x7F800000 : f32
    %broadcast_in_dim3A_139 = vector.broadcast %jit3A_138 : f32 to vector<1024x16xf32>
    %select_n3A_140 = arith.select %eq3A_137, %concatenate3A_132, %broadcast_in_dim3A_139 : vector<1024x16xi1>, vector<1024x16xf32>
    %reduce_min3A_141 = arith.constant dense<0x7F800000> : vector<1024xf32>
    %reduce_min3A_142 = vector.multi_reduction <minimumf>, %select_n3A_140, %reduce_min3A_141 [1] : vector<1024x16xf32> to vector<1024xf32>
    %broadcast_in_dim3A_143 = vector.shape_cast %reduce_min3A_142 : vector<1024xf32> to vector<1024x1xf32>
    %eq3A_144 = vector.broadcast %broadcast_in_dim3A_143 : vector<1024x1xf32> to vector<1024x16xf32>
    %eq3A_145 = arith.cmpf oeq, %concatenate3A_132, %eq3A_144 : vector<1024x16xf32>
    %jit3A_146 = arith.constant 0x7F800000 : f32
    %broadcast_in_dim3A_147 = vector.broadcast %jit3A_146 : f32 to vector<1024x16xf32>
    %select_n3A_148 = arith.select %eq3A_145, %broadcast_in_dim3A_147, %concatenate3A : vector<1024x16xi1>, vector<1024x16xf32>
    %reduce_min3A_149 = arith.constant dense<0x7F800000> : vector<1024xf32>
    %reduce_min3A_150 = vector.multi_reduction <minimumf>, %select_n3A_148, %reduce_min3A_149 [1] : vector<1024x16xf32> to vector<1024xf32>
    %broadcast_in_dim3A_151 = vector.shape_cast %reduce_min3A_150 : vector<1024xf32> to vector<1024x1xf32>
    %eq3A_152 = vector.broadcast %broadcast_in_dim3A_151 : vector<1024x1xf32> to vector<1024x16xf32>
    %eq3A_153 = arith.cmpf oeq, %select_n3A_148, %eq3A_152 : vector<1024x16xf32>
    %jit3A_154 = arith.constant 0x7F800000 : f32
    %broadcast_in_dim3A_155 = vector.broadcast %jit3A_154 : f32 to vector<1024x16xf32>
    %select_n3A_156 = arith.select %eq3A_153, %concatenate3A_132, %broadcast_in_dim3A_155 : vector<1024x16xi1>, vector<1024x16xf32>
    %reduce_min3A_157 = arith.constant dense<0x7F800000> : vector<1024xf32>
    %reduce_min3A_158 = vector.multi_reduction <minimumf>, %select_n3A_156, %reduce_min3A_157 [1] : vector<1024x16xf32> to vector<1024xf32>
    %broadcast_in_dim3A_159 = vector.shape_cast %reduce_min3A_158 : vector<1024xf32> to vector<1024x1xf32>
    %eq3A_160 = vector.broadcast %broadcast_in_dim3A_159 : vector<1024x1xf32> to vector<1024x16xf32>
    %eq3A_161 = arith.cmpf oeq, %concatenate3A_132, %eq3A_160 : vector<1024x16xf32>
    %jit3A_162 = arith.constant 0x7F800000 : f32
    %broadcast_in_dim3A_163 = vector.broadcast %jit3A_162 : f32 to vector<1024x16xf32>
    %select_n3A_164 = arith.select %eq3A_161, %broadcast_in_dim3A_163, %select_n3A_148 : vector<1024x16xi1>, vector<1024x16xf32>
    %reduce_min3A_165 = arith.constant dense<0x7F800000> : vector<1024xf32>
    %reduce_min3A_166 = vector.multi_reduction <minimumf>, %select_n3A_164, %reduce_min3A_165 [1] : vector<1024x16xf32> to vector<1024xf32>
    %broadcast_in_dim3A_167 = vector.shape_cast %reduce_min3A_166 : vector<1024xf32> to vector<1024x1xf32>
    %eq3A_168 = vector.broadcast %broadcast_in_dim3A_167 : vector<1024x1xf32> to vector<1024x16xf32>
    %eq3A_169 = arith.cmpf oeq, %select_n3A_164, %eq3A_168 : vector<1024x16xf32>
    %jit3A_170 = arith.constant 0x7F800000 : f32
    %broadcast_in_dim3A_171 = vector.broadcast %jit3A_170 : f32 to vector<1024x16xf32>
    %select_n3A_172 = arith.select %eq3A_169, %concatenate3A_132, %broadcast_in_dim3A_171 : vector<1024x16xi1>, vector<1024x16xf32>
    %reduce_min3A_173 = arith.constant dense<0x7F800000> : vector<1024xf32>
    %reduce_min3A_174 = vector.multi_reduction <minimumf>, %select_n3A_172, %reduce_min3A_173 [1] : vector<1024x16xf32> to vector<1024xf32>
    %broadcast_in_dim3A_175 = vector.shape_cast %reduce_min3A_174 : vector<1024xf32> to vector<1024x1xf32>
    %eq3A_176 = vector.broadcast %broadcast_in_dim3A_175 : vector<1024x1xf32> to vector<1024x16xf32>
    %eq3A_177 = arith.cmpf oeq, %concatenate3A_132, %eq3A_176 : vector<1024x16xf32>
    %jit3A_178 = arith.constant 0x7F800000 : f32
    %broadcast_in_dim3A_179 = vector.broadcast %jit3A_178 : f32 to vector<1024x16xf32>
    %select_n3A_180 = arith.select %eq3A_177, %broadcast_in_dim3A_179, %select_n3A_164 : vector<1024x16xi1>, vector<1024x16xf32>
    %reduce_min3A_181 = arith.constant dense<0x7F800000> : vector<1024xf32>
    %reduce_min3A_182 = vector.multi_reduction <minimumf>, %select_n3A_180, %reduce_min3A_181 [1] : vector<1024x16xf32> to vector<1024xf32>
    %broadcast_in_dim3A_183 = vector.shape_cast %reduce_min3A_182 : vector<1024xf32> to vector<1024x1xf32>
    %eq3A_184 = vector.broadcast %broadcast_in_dim3A_183 : vector<1024x1xf32> to vector<1024x16xf32>
    %eq3A_185 = arith.cmpf oeq, %select_n3A_180, %eq3A_184 : vector<1024x16xf32>
    %jit3A_186 = arith.constant 0x7F800000 : f32
    %broadcast_in_dim3A_187 = vector.broadcast %jit3A_186 : f32 to vector<1024x16xf32>
    %select_n3A_188 = arith.select %eq3A_185, %concatenate3A_132, %broadcast_in_dim3A_187 : vector<1024x16xi1>, vector<1024x16xf32>
    %reduce_min3A_189 = arith.constant dense<0x7F800000> : vector<1024xf32>
    %reduce_min3A_190 = vector.multi_reduction <minimumf>, %select_n3A_188, %reduce_min3A_189 [1] : vector<1024x16xf32> to vector<1024xf32>
    %broadcast_in_dim3A_191 = vector.shape_cast %reduce_min3A_190 : vector<1024xf32> to vector<1024x1xf32>
    %eq3A_192 = vector.broadcast %broadcast_in_dim3A_191 : vector<1024x1xf32> to vector<1024x16xf32>
    %eq3A_193 = arith.cmpf oeq, %concatenate3A_132, %eq3A_192 : vector<1024x16xf32>
    %jit3A_194 = arith.constant 0x7F800000 : f32
    %broadcast_in_dim3A_195 = vector.broadcast %jit3A_194 : f32 to vector<1024x16xf32>
    %select_n3A_196 = arith.select %eq3A_193, %broadcast_in_dim3A_195, %select_n3A_180 : vector<1024x16xi1>, vector<1024x16xf32>
    %reduce_min3A_197 = arith.constant dense<0x7F800000> : vector<1024xf32>
    %reduce_min3A_198 = vector.multi_reduction <minimumf>, %select_n3A_196, %reduce_min3A_197 [1] : vector<1024x16xf32> to vector<1024xf32>
    %broadcast_in_dim3A_199 = vector.shape_cast %reduce_min3A_198 : vector<1024xf32> to vector<1024x1xf32>
    %eq3A_200 = vector.broadcast %broadcast_in_dim3A_199 : vector<1024x1xf32> to vector<1024x16xf32>
    %eq3A_201 = arith.cmpf oeq, %select_n3A_196, %eq3A_200 : vector<1024x16xf32>
    %jit3A_202 = arith.constant 0x7F800000 : f32
    %broadcast_in_dim3A_203 = vector.broadcast %jit3A_202 : f32 to vector<1024x16xf32>
    %select_n3A_204 = arith.select %eq3A_201, %concatenate3A_132, %broadcast_in_dim3A_203 : vector<1024x16xi1>, vector<1024x16xf32>
    %reduce_min3A_205 = arith.constant dense<0x7F800000> : vector<1024xf32>
    %reduce_min3A_206 = vector.multi_reduction <minimumf>, %select_n3A_204, %reduce_min3A_205 [1] : vector<1024x16xf32> to vector<1024xf32>
    %broadcast_in_dim3A_207 = vector.shape_cast %reduce_min3A_206 : vector<1024xf32> to vector<1024x1xf32>
    %concatenate3A_208 = tpu.concatenate %broadcast_in_dim3A_135, %broadcast_in_dim3A_151, %broadcast_in_dim3A_167, %broadcast_in_dim3A_183, %broadcast_in_dim3A_199, %broadcast_in_dim3A_125, %broadcast_in_dim3A_125, %broadcast_in_dim3A_125, %broadcast_in_dim3A_125, %broadcast_in_dim3A_125, %broadcast_in_dim3A_125, %broadcast_in_dim3A_125, %broadcast_in_dim3A_125, %broadcast_in_dim3A_125, %broadcast_in_dim3A_125, %broadcast_in_dim3A_125 in 1 : vector<1024x1xf32>, vector<1024x1xf32>, vector<1024x1xf32>, vector<1024x1xf32>, vector<1024x1xf32>, vector<1024x1xf32>, vector<1024x1xf32>, vector<1024x1xf32>, vector<1024x1xf32>, vector<1024x1xf32>, vector<1024x1xf32>, vector<1024x1xf32>, vector<1024x1xf32>, vector<1024x1xf32>, vector<1024x1xf32>, vector<1024x1xf32> -> vector<1024x16xf32>
    %swap3A = arith.constant 0 : index
    %swap3A_209 = arith.constant 0 : index
    %swap3A_210 = vector.load %arg6[%swap3A, %swap3A_209] : memref<1024x16xf32, #tpu.memory_space<vmem>>, vector<1024x16xf32>
    tpu.vector_store %arg6[%swap3A, %swap3A_209], %concatenate3A_208 {strides = array<i32>} : memref<1024x16xf32, #tpu.memory_space<vmem>>, vector<1024x16xf32>,
    %concatenate3A_211 = tpu.concatenate %broadcast_in_dim3A_143, %broadcast_in_dim3A_159, %broadcast_in_dim3A_175, %broadcast_in_dim3A_191, %broadcast_in_dim3A_207, %broadcast_in_dim3A_125, %broadcast_in_dim3A_125, %broadcast_in_dim3A_125, %broadcast_in_dim3A_125, %broadcast_in_dim3A_125, %broadcast_in_dim3A_125, %broadcast_in_dim3A_125, %broadcast_in_dim3A_125, %broadcast_in_dim3A_125, %broadcast_in_dim3A_125, %broadcast_in_dim3A_125 in 1 : vector<1024x1xf32>, vector<1024x1xf32>, vector<1024x1xf32>, vector<1024x1xf32>, vector<1024x1xf32>, vector<1024x1xf32>, vector<1024x1xf32>, vector<1024x1xf32>, vector<1024x1xf32>, vector<1024x1xf32>, vector<1024x1xf32>, vector<1024x1xf32>, vector<1024x1xf32>, vector<1024x1xf32>, vector<1024x1xf32>, vector<1024x1xf32> -> vector<1024x16xf32>
    %swap3A_212 = arith.constant 0 : index
    %swap3A_213 = arith.constant 0 : index
    %swap3A_214 = vector.load %arg7[%swap3A_212, %swap3A_213] : memref<1024x16xf32, #tpu.memory_space<vmem>>, vector<1024x16xf32>
    tpu.vector_store %arg7[%swap3A_212, %swap3A_213], %concatenate3A_211 {strides = array<i32>} : memref<1024x16xf32, #tpu.memory_space<vmem>>, vector<1024x16xf32>,
    %eq3A_215 = arith.constant 48 : i32
    %eq3A_216 = arith.cmpi eq, %arg0, %eq3A_215 : i32
    %convert_element_type3A_217 = arith.extui %eq3A_216 : i1 to i32
    %cond3A_218 = arith.constant 0 : i32
    %cond3A_219 = arith.cmpi ne, %convert_element_type3A_217, %cond3A_218 : i32
    scf.if %cond3A_219 {
      %sqrt3A = math.sqrt %broadcast_in_dim3A_135 : vector<1024x1xf32>
      %sqrt3A_220 = math.sqrt %broadcast_in_dim3A_151 : vector<1024x1xf32>
      %sqrt3A_221 = math.sqrt %broadcast_in_dim3A_167 : vector<1024x1xf32>
      %sqrt3A_222 = math.sqrt %broadcast_in_dim3A_183 : vector<1024x1xf32>
      %sqrt3A_223 = math.sqrt %broadcast_in_dim3A_199 : vector<1024x1xf32>
      %convert_element_type3A_224 = arith.fptosi %broadcast_in_dim3A_143 : vector<1024x1xf32> to vector<1024x1xi32>
      %and3A = arith.constant 15 : i32
      %and3A_225 = vector.broadcast %and3A : i32 to vector<1024x1xi32>
      %and3A_226 = arith.andi %convert_element_type3A_224, %and3A_225 : vector<1024x1xi32>
      %convert_element_type3A_227 = arith.sitofp %and3A_226 : vector<1024x1xi32> to vector<1024x1xf32>
      %convert_element_type3A_228 = arith.fptosi %broadcast_in_dim3A_159 : vector<1024x1xf32> to vector<1024x1xi32>
      %and3A_229 = arith.constant 15 : i32
      %and3A_230 = vector.broadcast %and3A_229 : i32 to vector<1024x1xi32>
      %and3A_231 = arith.andi %convert_element_type3A_228, %and3A_230 : vector<1024x1xi32>
      %convert_element_type3A_232 = arith.sitofp %and3A_231 : vector<1024x1xi32> to vector<1024x1xf32>
      %convert_element_type3A_233 = arith.fptosi %broadcast_in_dim3A_175 : vector<1024x1xf32> to vector<1024x1xi32>
      %and3A_234 = arith.constant 15 : i32
      %and3A_235 = vector.broadcast %and3A_234 : i32 to vector<1024x1xi32>
      %and3A_236 = arith.andi %convert_element_type3A_233, %and3A_235 : vector<1024x1xi32>
      %convert_element_type3A_237 = arith.sitofp %and3A_236 : vector<1024x1xi32> to vector<1024x1xf32>
      %convert_element_type3A_238 = arith.fptosi %broadcast_in_dim3A_191 : vector<1024x1xf32> to vector<1024x1xi32>
      %and3A_239 = arith.constant 15 : i32
      %and3A_240 = vector.broadcast %and3A_239 : i32 to vector<1024x1xi32>
      %and3A_241 = arith.andi %convert_element_type3A_238, %and3A_240 : vector<1024x1xi32>
      %convert_element_type3A_242 = arith.sitofp %and3A_241 : vector<1024x1xi32> to vector<1024x1xf32>
      %convert_element_type3A_243 = arith.fptosi %broadcast_in_dim3A_207 : vector<1024x1xf32> to vector<1024x1xi32>
      %and3A_244 = arith.constant 15 : i32
      %and3A_245 = vector.broadcast %and3A_244 : i32 to vector<1024x1xi32>
      %and3A_246 = arith.andi %convert_element_type3A_243, %and3A_245 : vector<1024x1xi32>
      %convert_element_type3A_247 = arith.sitofp %and3A_246 : vector<1024x1xi32> to vector<1024x1xf32>
      %broadcast_in_dim3A_248 = arith.constant 0.000000e+00 : f32
      %broadcast_in_dim3A_249 = vector.broadcast %broadcast_in_dim3A_248 : f32 to vector<1024x1xf32>
      %concatenate3A_250 = tpu.concatenate %sqrt3A, %sqrt3A_220, %sqrt3A_221, %sqrt3A_222, %sqrt3A_223, %broadcast_in_dim3A_249, %broadcast_in_dim3A_249, %broadcast_in_dim3A_249, %broadcast_in_dim3A_249, %broadcast_in_dim3A_249, %broadcast_in_dim3A_249, %broadcast_in_dim3A_249, %broadcast_in_dim3A_249, %broadcast_in_dim3A_249, %broadcast_in_dim3A_249, %broadcast_in_dim3A_249 in 1 : vector<1024x1xf32>, vector<1024x1xf32>, vector<1024x1xf32>, vector<1024x1xf32>, vector<1024x1xf32>, vector<1024x1xf32>, vector<1024x1xf32>, vector<1024x1xf32>, vector<1024x1xf32>, vector<1024x1xf32>, vector<1024x1xf32>, vector<1024x1xf32>, vector<1024x1xf32>, vector<1024x1xf32>, vector<1024x1xf32>, vector<1024x1xf32> -> vector<1024x16xf32>
      %swap3A_251 = arith.constant 0 : index
      %swap3A_252 = arith.constant 0 : index
      %swap3A_253 = vector.load %arg4[%swap3A_251, %swap3A_252] : memref<1024x16xf32, #tpu.memory_space<vmem>>, vector<1024x16xf32>
      tpu.vector_store %arg4[%swap3A_251, %swap3A_252], %concatenate3A_250 {strides = array<i32>} : memref<1024x16xf32, #tpu.memory_space<vmem>>, vector<1024x16xf32>,
      %concatenate3A_254 = tpu.concatenate %convert_element_type3A_227, %convert_element_type3A_232, %convert_element_type3A_237, %convert_element_type3A_242, %convert_element_type3A_247, %broadcast_in_dim3A_249, %broadcast_in_dim3A_249, %broadcast_in_dim3A_249, %broadcast_in_dim3A_249, %broadcast_in_dim3A_249, %broadcast_in_dim3A_249, %broadcast_in_dim3A_249, %broadcast_in_dim3A_249, %broadcast_in_dim3A_249, %broadcast_in_dim3A_249, %broadcast_in_dim3A_249 in 1 : vector<1024x1xf32>, vector<1024x1xf32>, vector<1024x1xf32>, vector<1024x1xf32>, vector<1024x1xf32>, vector<1024x1xf32>, vector<1024x1xf32>, vector<1024x1xf32>, vector<1024x1xf32>, vector<1024x1xf32>, vector<1024x1xf32>, vector<1024x1xf32>, vector<1024x1xf32>, vector<1024x1xf32>, vector<1024x1xf32>, vector<1024x1xf32> -> vector<1024x16xf32>
      %swap3A_255 = arith.constant 0 : index
      %swap3A_256 = arith.constant 0 : index
      %swap3A_257 = vector.load %arg5[%swap3A_255, %swap3A_256] : memref<1024x16xf32, #tpu.memory_space<vmem>>, vector<1024x16xf32>
      tpu.vector_store %arg5[%swap3A_255, %swap3A_256], %concatenate3A_254 {strides = array<i32>} : memref<1024x16xf32, #tpu.memory_space<vmem>>, vector<1024x16xf32>,
    } else {
    }
    return
  }
  func.func @transform_0(%arg0: i32) -> (i32, i32) {
    %c0_i32 = arith.constant 0 : i32
    %c0_i32_0 = arith.constant 0 : i32
    %c0_i32_1 = arith.constant 0 : i32
    return %c0_i32, %c0_i32_0 : i32, i32
  }
  func.func @transform_1(%arg0: i32) -> (i32, i32) {
    %c0_i32 = arith.constant 0 : i32
    %c0_i32_0 = arith.constant 0 : i32
    return %arg0, %c0_i32 : i32, i32
  }
  func.func @transform_2(%arg0: i32) -> (i32, i32, i32) {
    %c0_i32 = arith.constant 0 : i32
    %c0_i32_0 = arith.constant 0 : i32
    %c0_i32_1 = arith.constant 0 : i32
    return %arg0, %c0_i32, %c0_i32_0 : i32, i32, i32
  }
  func.func @transform_3(%arg0: i32) -> (i32, i32) {
    %c0_i32 = arith.constant 0 : i32
    %c0_i32_0 = arith.constant 0 : i32
    %c0_i32_1 = arith.constant 0 : i32
    return %c0_i32, %c0_i32_0 : i32, i32
  }
  func.func @transform_4(%arg0: i32) -> (i32, i32) {
    %c0_i32 = arith.constant 0 : i32
    %c0_i32_0 = arith.constant 0 : i32
    %c0_i32_1 = arith.constant 0 : i32
    return %c0_i32, %c0_i32_0 : i32, i32
  }
}

</mosaic_0001>

<sc_bundles>
// kernel: kernel.4.cloned.1.call-start
scs
__scs_entry_jumppad:
0x0: {  	(pc) =	sbr.rel $0x88, $3  }
0x1: {  	(tag) =	ssettag $0x0;
	lr =	simm.s32 $0x1  }
0x2: {  	[smem:$0x3F9E] =	sst lr;
	_ =	strace $0xD0000000  }
0x3: {  	_ = 	snop  }
0x4: {  	_ = 	snop  }
0x5: {  	_ = 	snop  }
0x6: {  	_ = 	snop  }
0x7: {  	_ = 	snop  }
__scs_overlays_trampoline_lowered:
0x8: {  	[smem:$0x3FAD] =	sst s0  }
0x9: {  	[smem:$0x3FAE] =	sst s1  }
0xa: {  	[smem:$0x3FAF] =	sst s2  }
0xb: {  	[smem:$0x3FB0] =	sst s3  }
0xc: {  	[smem:$0x3FB1] =	sst s4  }
0xd: {  	[smem:$0x3FB2] =	sst s5  }
0xe: {  	[smem:$0x3FB3] =	sst s6  }
0xf: {  	[smem:$0x3FB4] =	sst s7  }
0x10: {  	[smem:$0x3FB5] =	sst s8  }
0x11: {  	[smem:$0x3FB6] =	sst s9;
	s0 =	simm.s32 @!p0 $0x0  }
0x12: {  	s1 =	sld [smem:$0x3F9C];
	s0 =	simm.s32 @p0 $0x1  }
0x13: {  	[smem:$0x3FB7] =	sst s0;
	s0 =	simm.s32 @!p1 $0x0  }
0x14: {  	s2 =	sld [smem:$0x3F9B];
	s0 =	simm.s32 @p1 $0x1  }
0x15: {  	[smem:$0x3FB8] =	sst s0;
	s0 =	simm.s32 @!p2 $0x0  }
0x16: {  	s3 =	sld [smem:$0x3FDB];
	s0 =	simm.s32 @p2 $0x1  }
0x17: {  	s4 =	simm.s32 $0x1BF5;
	[smem:$0x3FBA] =	sst s0  }
0x18: {  	s0 =	sld [smem:$0x3F9D];
	_ =	swait.ge [sflag:s4], $0x0  }
0x19: {  	s7 =	sld [smem:$0x3F9E]  }
0x1a: {  	s8 =	sadd.s32 $0xFFFFE003, lr  }
0x1b: {  	s9 =	sadd.s32 $0xFFFFFEF7, lr;
	s5 =	simm.s32 $0xFFFFFFFF;
	p2 =	slt.u32 s8, $0xFFFFF086  }
0x1c: {  	p1 =	slt.u32 s9, $0xF7A;
	s5 =	simm.s32 @!p2 $0x0  }
0x1d: {  	s5 =	simm.s32 @p1 $0x1;
	p0 =	seq.s32 s7, s2  }
0x1e: {  	s7 =	smul.u32 @!p0 $0xF7A, s2;
	p2 =	seq.s32 @!p0 s5, $0x0  }
0x1f: {  	s9 =	smul.u32 $0xF7A, s1;
	s8 =	simm.s32 @!p0 $0x1BF5;
	p2 =	por !p2, p0  }
0x20: {  	[sflag:s8] =	ssyncset.s32 @!p0 $0xFFFFF086;
	s6 =	sadd.s32 @!p0 s3, s7;
	s7 =	simm.s32 @!p0 $0x108  }
0x21: {  	s3 =	sadd.s32 s3, s9;
	s6 =	sadd.s32 @!p0 $0x88, s6;
	s7 =	simm.s32 @p2 $0x1082  }
0x22: {  	[simem:s7], [sflag:s8] =	dma.local @!p0 [hbm:s6], $0xF7A  }
0x23: {  	s9 =	sor.u32 $0xD0000000, s2;
	s6 =	simm.s32 $0x108;
	_ =	swait.ge @!p0 [sflag:s8], $0x0  }
0x24: {  	s3 =	sadd.s32 $0x88, s3;
	s6 =	simm.s32 @!p1 $0x1082;
	[sflag:s4] =	ssyncset.s32 $0xFFFFF086  }
0x25: {  	[simem:s6], [sflag:s4] =	dma.local [hbm:s3], $0xF7A  }
0x26: {  	[smem:$0x3F9E] =	sst s1;
	(tag) =	ssettag s2;
	_ =	strace s9  }
0x27: {  	s1 =	sld [smem:$0x3FAE]  }
0x28: {  	s2 =	sld [smem:$0x3FAF]  }
0x29: {  	s4 =	sld [smem:$0x3FB1]  }
0x2a: {  	p0 =	seq.s32 s5, $0x0;
	s5 =	sld [smem:$0x3FB2]  }
0x2b: {  	s6 =	sld [smem:$0x3FB3]  }
0x2c: {  	s7 =	sld [smem:$0x3FB4]  }
0x2d: {  	s3 =	simm.s32 $0x108;
	s8 =	sld [smem:$0x3FB5]  }
0x2e: {  	s3 =	simm.s32 @!p0 $0x1082;
	s9 =	sld [smem:$0x3FB6]  }
0x2f: {  	lr =	sadd.s32 s0, s3;
	s0 =	sld [smem:$0x3FAD]  }
0x30: {  	s3 =	sld [smem:$0x3FB0]  }
0x31: {  	[smem:$0x3FB9] =	sst s10  }
0x32: {  	s10 =	sld [smem:$0x3FB7];
	_ =	sdelay $0x3  }
0x33: {  	p0 =	seq.s32 s10, $0x1;
	s10 =	sld [smem:$0x3FB9];
	_ =	sdelay $0x3  }
0x34: {  	[smem:$0x3FB9] =	sst s10  }
0x35: {  	s10 =	sld [smem:$0x3FB8];
	_ =	sdelay $0x3  }
0x36: {  	p1 =	seq.s32 s10, $0x1;
	s10 =	sld [smem:$0x3FB9];
	_ =	sdelay $0x3  }
0x37: {  	[smem:$0x3FB9] =	sst s10  }
0x38: {  	s10 =	sld [smem:$0x3FBA]  }
0x39: {  	_ = 	snop;
	(pc) =	sbr.ind lr, $3  }
0x3a: {  	_ = 	snop  }
0x3b: {  	_ = 	snop  }
0x3c: {  	p2 =	seq.s32 s10, $0x1;
	s10 =	sld [smem:$0x3FB9]  }
0x3d: {  	_ =	shalt  }
0x3e: {  	_ =	shalt  }
0x3f: {  	_ =	shalt  }
0x40: {  	_ =	shalt  }
0x41: {  	_ =	shalt  }
0x42: {  	_ =	shalt  }
0x43: {  	_ =	shalt  }
0x44: {  	_ =	shalt  }
0x45: {  	_ =	shalt  }
0x46: {  	_ =	shalt  }
0x47: {  	_ =	shalt  }
0x48: {  	_ =	shalt  }
0x49: {  	_ =	shalt  }
0x4a: {  	_ =	shalt  }
0x4b: {  	_ =	shalt  }
0x4c: {  	_ =	shalt  }
0x4d: {  	_ =	shalt  }
0x4e: {  	_ =	shalt  }
0x4f: {  	_ =	shalt  }
0x50: {  	_ =	shalt  }
0x51: {  	_ =	shalt  }
0x52: {  	_ =	shalt  }
0x53: {  	_ =	shalt  }
0x54: {  	_ =	shalt  }
0x55: {  	_ =	shalt  }
0x56: {  	_ =	shalt  }
0x57: {  	_ =	shalt  }
0x58: {  	_ =	shalt  }
0x59: {  	_ =	shalt  }
0x5a: {  	_ =	shalt  }
0x5b: {  	_ =	shalt  }
0x5c: {  	_ =	shalt  }
0x5d: {  	_ =	shalt  }
0x5e: {  	_ =	shalt  }
0x5f: {  	_ =	shalt  }
0x60: {  	_ =	shalt  }
0x61: {  	_ =	shalt  }
0x62: {  	_ =	shalt  }
0x63: {  	_ =	shalt  }
0x64: {  	_ =	shalt  }
0x65: {  	_ =	shalt  }
0x66: {  	_ =	shalt  }
0x67: {  	_ =	shalt  }
0x68: {  	_ =	shalt  }
0x69: {  	_ =	shalt  }
0x6a: {  	_ =	shalt  }
0x6b: {  	_ =	shalt  }
0x6c: {  	_ =	shalt  }
0x6d: {  	_ =	shalt  }
0x6e: {  	_ =	shalt  }
0x6f: {  	_ =	shalt  }
0x70: {  	_ =	shalt  }
0x71: {  	_ =	shalt  }
0x72: {  	_ =	shalt  }
0x73: {  	_ =	shalt  }
0x74: {  	_ =	shalt  }
0x75: {  	_ =	shalt  }
0x76: {  	_ =	shalt  }
0x77: {  	_ =	shalt  }
0x78: {  	_ =	shalt  }
0x79: {  	_ =	shalt  }
0x7a: {  	_ =	shalt  }
0x7b: {  	_ =	shalt  }
0x7c: {  	_ =	shalt  }
0x7d: {  	_ =	shalt  }
0x7e: {  	_ =	shalt  }
0x7f: {  	_ =	shalt  }
0x80: {  	_ =	shalt  }
0x81: {  	_ =	shalt  }
0x82: {  	_ =	shalt  }
0x83: {  	_ =	shalt  }
0x84: {  	_ =	shalt  }
0x85: {  	_ =	shalt  }
0x86: {  	_ =	shalt  }
0x87: {  	_ =	shalt  }
.Lfunc_end0:
.L_simem_size_0:
called_computation_lowered:
.L_overlay_start_0:
0x88: {  	s2 =	sld [smem:$0x3FD9]  }
0x89: {  	s3 =	sld [smem:$0x3FFE];
	_ =	sdelay $0x1  }
0x8a: {  	s1 =	srdreg.scid  }
0x8b: {  	s0 =	sand.u32 $0x1, s1  }
0x8c: {  	s17 =	sshll.u32 s0, $0xA;
	s2 =	sadd.s32 s3, s2  }
0x8d: {  	s2 =	sadd.s32 s2, s17  }
0x8e: {  	[smem:$0x3FC5] =	sst s2  }
0x8f: {  	_ = 	snop  }
0x90: {  	s2 =	sld [smem:$0x3FD0];
	(tm) =	ssettm $0x1  }
0x91: {  	s18 =	sld [smem:$0x3FFB];
	_ =	sdelay $0x3  }
0x92: {  	_ =	strace s18  }
0x93: {  	s3 =	sld [smem:$0x3FFC];
	_ =	sdelay $0x3  }
0x94: {  	_ =	strace s3  }
0x95: {  	s3 =	sld [smem:$0x3FFD];
	_ =	sdelay $0x3  }
0x96: {  	_ =	strace s3  }
0x97: {  	_ =	strace $0x8FFFFFFF  }
0x98: {  	s19 =	sld [smem:$0x3FDB];
	_ =	sdelay $0x1  }
0x99: {  	s4 =	simm.s32 $_scs_section_size  }
0x9a: {  	s5 =	simm.s32 $_size__tile_overlayer_lowered;
	s6 =	simm.s32 $_tile_overlayer_lowered  }
0x9b: {  	s22 =	simm.s32 $0x1BFF;
	s21 =	sshll.u32 s6, $0x1;
	s3 =	sadd.s32 s4, s19  }
0x9c: {  	s7 =	simm.s32 $0x0;
	s20 =	sshll.u32 s5, $0x1;
	s5 =	sadd.s32 s21, s3  }
0x9d: {  	[timem:s7], [sflag:s22] =	dma.local [hbm:s5], s20  }
0x9e: {  	_ =	swait.ge [sflag:s22], s20  }
0x9f: {  	s4 =	ssub.s32 $0x0, s20;
	[sflag:s22] =	ssyncset.done $0x0  }
0xa0: {  	[sflag:s22] =	ssyncadd.s32 s4;
	_ =	sdelay $0x1  }
0xa1: {  	s23 =	simm.s32 $0x1B8B  }
0xa2: {  	_ =	swait.ge [sflag:s23], $0x1  }
0xa3: {  	[sflag:s23] =	ssyncset.done $0x0  }
0xa4: {  	s25 =	simm.s32 $0x1B8E;
	s24 =	sld [smem:$0x3FFE];
	[sflag:s23] =	ssyncadd.s32 $0xFFFFFFFF  }
0xa5: {  	s26 =	simm.s32 $execute0_lowered;
	[smem:$0x3FD2] =	sst s25  }
0xa6: {  	s5 =	sshll.u32 s26, $0x1;
	_ =	strace $0x80000046;
	[dreg:$0x1] =	wrdreg $0xFFFFFFFF  }
0xa7: {  	s28 =	simm.s32 $_size_execute0_lowered;
	s3 =	sadd.s32 s3, s5;
	[dreg:$0x0] =	wrdreg $0x0  }
0xa8: {  	s5 =	sshll.u32 s28, $0x1;
	[dreg:$0x2] =	wrdreg s3  }
0xa9: {  	[dreg:$0x3] =	wrdreg s5  }
0xaa: {  	[dreg:$0x4] =	wrdreg $0xC0  }
0xab: {  	_ =	task [dreg:s7], $0x5FFFF  }
0xac: {  	[dreg:$0x1] =	wrdreg $0xFFFFFFFF  }
0xad: {  	[dreg:$0x0] =	wrdreg $0x60  }
0xae: {  	[dreg:$0x2] =	wrdreg s2  }
0xaf: {  	[dreg:$0x3] =	wrdreg s24  }
0xb0: {  	[dreg:$0x4] =	wrdreg $0x9  }
0xb1: {  	_ =	task.clear_ibuf [dreg:s7], $0x5FFFF;
	_ =	strace $0x90000046  }
0xb2: {  	s29 =	simm.s32 $0x9;
	_ =	strace $0x80000048  }
0xb3: {  	_ =	swait.ge [sflag:s29], $0x1  }
0xb4: {  	[sflag:s29] =	ssyncadd.s32 $0xFFFFFFFF  }
0xb5: {  	_ =	strace $0x90000048  }
0xb6: {  	_ =	sfence  }
0xb7: {  	s30 =	sld [smem:$0x0];
	_ =	sdelay $0x2  }
0xb8: {  	s31 =	sshll.u32 s1, $0xD;
	s1 =	sshrl.u32 s1, $0x2  }
0xb9: {  	s3 =	sand.u32 $0x4000, s31;
	s1 =	sadd.s32 s1, s30  }
0xba: {  	s0 =	sor.u32 s3, s0;
	s1 =	sshll.u32 s1, $0x11  }
0xbb: {  	s0 =	sor.u32 s1, s0  }
0xbc: {  	s0 =	sadd.s32 $0x8F2B, s0  }
0xbd: {  	[sflag:s0] =	ssyncadd.remote.s32 $0x1  }
0xbe: {  	_ =	sfence.sel $0xFFFF  }
0xbf: {  	[dreg:$0x0] =	wrdreg $0xFFFFFFFF;
	(pc) =	sbr.abs _section_cstart, $3  }
0xc0: {  	[dreg:$0x1] =	wrdreg $0xFFFFFFFF  }
0xc1: {  	_ =	task.clear_ibuf [dreg:s7], $0x2FFFF;
	_ =	strace $0x9FFFFFFF  }
0xc2: {  	(tm) =	ssettm $0x7FFFFFFF  }
0xc3: {  	_ =	shalt  }
tec
execute0_lowered:
.L_overlay_start_1:
0x0: {  	(tag) =	ssettag $0x1  }
0x1: {  	s0 =	rddreg [dreg:$0x0]  }
0x2: {  	s1 =	rddreg [dreg:$0x1];
	s2 =	simm.s32 $0x0  }
0x3: {  	s3 =	srdreg.scid;
	s5 =	stileid.u32;
	s24 =	simm.s32 $0x1  }
0x4: {  	s25 =	simm.s32 $0x2E0;
	s26 =	simm.s32 $0x300;
	s28 =	simm.s32 $0x320  }
0x5: {  	s29 =	simm.s32 $0x0;
	[smem:$0x7FF] =	sst s2;
	s3 =	sand.u32 $0x1, s3  }
0x6: {  	s5 =	sshll.u32 s5, $0x3;
	s12 =	sadd.s32 $0xC00, s1;
	s4 =	ssub.s32 $0x2, s3  }
0x7: {  	s1 =	sadd.s32 $0x1000, s1;
	s3 =	sshll.u32 s3, $0x2;
	s6 =	sshrl.u32 s4, $0x1  }
0x8: {  	_ =	strace $0x80000047;
	s13 =	sor.u32 s3, s5;
	s23 =	ssub.s32 s4, s6  }
0x9: {  	s3 =	sadd.s32 s0, s13;
	s4 =	sadd.s32 s12, s13;
	s14 =	sor.u32 $0x80, s13  }
0xa: {  	s15 =	sor.u32 $0x100, s13;
	s16 =	sor.u32 $0x180, s13;
	s17 =	sor.u32 $0x200, s13  }
0xb: {  	s13 =	sadd.s32 s1, s13;
	s5 =	sadd.s32 s0, s14;
	s6 =	sadd.s32 s12, s14  }
0xc: {  	s7 =	sadd.s32 s0, s15;
	s8 =	sadd.s32 s12, s15;
	s9 =	sadd.s32 s0, s16  }
0xd: {  	s10 =	sadd.s32 s12, s16;
	s11 =	sadd.s32 s0, s17;
	s12 =	sadd.s32 s12, s17  }
0xe: {  	s14 =	sadd.s32 s1, s14;
	s15 =	sadd.s32 s1, s15;
	s16 =	sadd.s32 s1, s16  }
0xf: {  	s17 =	sadd.s32 s1, s17;
	s18 =	sadd.s32 $0x280, s13;
	s19 =	sadd.s32 $0x300, s13  }
0x10: {  	s20 =	sadd.s32 $0x380, s13;
	s21 =	sadd.s32 $0x400, s13;
	s22 =	sadd.s32 $0x480, s13  }
0x11: {  	s23 =	smax.u32 s23, $0x1;
	s0 =	simm.s32 $0x2A0;
	s1 =	simm.s32 $0x2C0  }
.LBB2_1:
0x12: {  	[tilespmem:s2], [sflag:$0x1] =	stream.linear.gather [hbm4b:s3+s2], $0x20, $0x38;
	[tilespmem:$0x380] =	vst v63  }
0x13: {  	_ =	swait.ge [sflag:s24], $0x20  }
0x14: {  	[sflag:s24] =	ssyncset.done $0x0  }
0x15: {  	s30 =	simm.s32 $0x100;
	[sflag:s24] =	ssyncadd.s32 $0xFFFFFFE0  }
0x16: {  	[tilespmem:s30], [sflag:$0x1] =	stream.linear.gather [hbm4b:s4+s2], $0x20, $0x38;
	[tilespmem:$0x380] =	vst v63  }
0x17: {  	_ =	swait.ge [sflag:s24], $0x20  }
0x18: {  	[sflag:s24] =	ssyncset.done $0x0  }
0x19: {  	s30 =	simm.s32 $0x20;
	[sflag:s24] =	ssyncadd.s32 $0xFFFFFFE0  }
0x1a: {  	[tilespmem:s30], [sflag:$0x1] =	stream.linear.gather [hbm4b:s5+s2], $0x20, $0x38;
	[tilespmem:$0x380] =	vst v63  }
0x1b: {  	_ =	swait.ge [sflag:s24], $0x20  }
0x1c: {  	[sflag:s24] =	ssyncset.done $0x0  }
0x1d: {  	s30 =	simm.s32 $0x120;
	[sflag:s24] =	ssyncadd.s32 $0xFFFFFFE0  }
0x1e: {  	[tilespmem:s30], [sflag:$0x1] =	stream.linear.gather [hbm4b:s6+s2], $0x20, $0x38;
	[tilespmem:$0x380] =	vst v63  }
0x1f: {  	_ =	swait.ge [sflag:s24], $0x20  }
0x20: {  	[sflag:s24] =	ssyncset.done $0x0  }
0x21: {  	s30 =	simm.s32 $0x40;
	[sflag:s24] =	ssyncadd.s32 $0xFFFFFFE0  }
0x22: {  	[tilespmem:s30], [sflag:$0x1] =	stream.linear.gather [hbm4b:s7+s2], $0x20, $0x38;
	[tilespmem:$0x380] =	vst v63  }
0x23: {  	_ =	swait.ge [sflag:s24], $0x20  }
0x24: {  	[sflag:s24] =	ssyncset.done $0x0  }
0x25: {  	s30 =	simm.s32 $0x140;
	[sflag:s24] =	ssyncadd.s32 $0xFFFFFFE0  }
0x26: {  	[tilespmem:s30], [sflag:$0x1] =	stream.linear.gather [hbm4b:s8+s2], $0x20, $0x38;
	[tilespmem:$0x380] =	vst v63  }
0x27: {  	_ =	swait.ge [sflag:s24], $0x20  }
0x28: {  	[sflag:s24] =	ssyncset.done $0x0  }
0x29: {  	s30 =	simm.s32 $0x60;
	[sflag:s24] =	ssyncadd.s32 $0xFFFFFFE0  }
0x2a: {  	[tilespmem:s30], [sflag:$0x1] =	stream.linear.gather [hbm4b:s9+s2], $0x20, $0x38;
	[tilespmem:$0x380] =	vst v63  }
0x2b: {  	_ =	swait.ge [sflag:s24], $0x20  }
0x2c: {  	[sflag:s24] =	ssyncset.done $0x0  }
0x2d: {  	s30 =	simm.s32 $0x160;
	[sflag:s24] =	ssyncadd.s32 $0xFFFFFFE0  }
0x2e: {  	[tilespmem:s30], [sflag:$0x1] =	stream.linear.gather [hbm4b:s10+s2], $0x20, $0x38;
	[tilespmem:$0x380] =	vst v63  }
0x2f: {  	_ =	swait.ge [sflag:s24], $0x20  }
0x30: {  	[sflag:s24] =	ssyncset.done $0x0  }
0x31: {  	s30 =	simm.s32 $0x80;
	[sflag:s24] =	ssyncadd.s32 $0xFFFFFFE0  }
0x32: {  	[tilespmem:s30], [sflag:$0x1] =	stream.linear.gather [hbm4b:s11+s2], $0x20, $0x38;
	[tilespmem:$0x380] =	vst v63  }
0x33: {  	_ =	swait.ge [sflag:s24], $0x20  }
0x34: {  	[sflag:s24] =	ssyncset.done $0x0  }
0x35: {  	s30 =	simm.s32 $0x180;
	[sflag:s24] =	ssyncadd.s32 $0xFFFFFFE0  }
0x36: {  	[tilespmem:s30], [sflag:$0x1] =	stream.linear.gather [hbm4b:s12+s2], $0x20, $0x38;
	[tilespmem:$0x380] =	vst v63  }
0x37: {  	_ =	swait.ge [sflag:s24], $0x20  }
0x38: {  	[sflag:s24] =	ssyncset.done $0x0  }
0x39: {  	p0 =	por $0x1, $0x1;
	s30 =	simm.s32 $0x0;
	[sflag:s24] =	ssyncadd.s32 $0xFFFFFFE0  }
.LBB2_2:
0x3a: {  	v0 =	vld [tilespmem:s30+$0x0];
	s31 =	sor.u32 $0x20, s30  }
0x3b: {  	v1 =	vld [tilespmem:s31+$0x0]  }
0x3c: {  	s31 =	sor.u32 $0x40, s30  }
0x3d: {  	v2 =	vld [tilespmem:s31+$0x0]  }
0x3e: {  	s31 =	sor.u32 $0x60, s30  }
0x3f: {  	v3 =	vld [tilespmem:s31+$0x0];
	v4 =	vsub.f32 v0, v0  }
0x40: {  	s31 =	sor.u32 $0x80, s30;
	v1 =	vsub.f32 v0, v1  }
0x41: {  	v5 =	vld [tilespmem:s31+$0x0];
	v4 =	vmul.f32 $1.442695020e+00, v4  }
0x42: {  	v2 =	vsub.f32 v0, v2;
	v1 =	vmul.f32 $1.442695020e+00, v1  }
0x43: {  	(erf) = vpow2.f32 v4  }
0x44: {  	v53 =	vsub.f32 v0, v3;
	v52 =	vmul.f32 $1.442695020e+00, v2;
	(erf) = vpow2.f32 v1;
	_ =	sdelay $0x1  }
0x45: {  	v0 =	vsub.f32 v0, v5;
	v54 =	vmul.f32 $1.442695020e+00, v53;
	(erf) = vpow2.f32 v52;
	_ =	sdelay $0x1  }
0x46: {  	v0 =	vmul.f32 $1.442695020e+00, v0;
	(erf) = vpow2.f32 v54;
	_ =	sdelay $0x1  }
0x47: {  	(erf) = vpow2.f32 v0;
	_ =	sdelay $0x1  }
0x48: {  	v55 =	vpop (erf)  }
0x49: {  	v56 =	vpop (erf)  }
0x4a: {  	v57 =	vadd.f32 v56, v55  }
0x4b: {  	v58 =	vpop (erf)  }
0x4c: {  	v2 =	vadd.f32 v58, v57  }
0x4d: {  	v7 =	vpop (erf)  }
0x4e: {  	v2 =	vadd.f32 v7, v2  }
0x4f: {  	v8 =	vpop (erf)  }
0x50: {  	v2 =	vadd.f32 v8, v2;
	_ =	sdelay $0x1  }
0x51: {  	v9 =	vld [tilespmem:s30+$0x100];
	(erf) = vrcp.f32 v2  }
0x52: {  	v6 =	vld [tilespmem:s30+$0x120]  }
0x53: {  	v59 =	vld [tilespmem:s30+$0x140];
	_ =	sdelay $0x2  }
0x54: {  	v0 =	vld [tilespmem:s30+$0x180]  }
0x55: {  	v2 =	vld [tilespmem:s30+$0x160]  }
0x56: {  	vm0 =	veq.f32 v9, $0.0e+00;
	vm1 =	veq.f32 v6, $0.0e+00;
	vm4 =	veq.f32 v59, $0.0e+00  }
0x57: {  	vm7 =	veq.f32 v9, $1.000000000e+00;
	vm8 =	veq.f32 v6, $1.000000000e+00;
	vm9 =	veq.f32 v59, $1.000000000e+00  }
0x58: {  	vm12 =	veq.f32 v9, $2.000000000e+00;
	vm13 =	veq.f32 v6, $2.000000000e+00;
	vm14 =	veq.f32 v59, $2.000000000e+00;
	v10 =	vpop (erf)  }
0x59: {  	vm6 =	veq.f32 v0, $0.0e+00;
	vm11 =	veq.f32 v0, $1.000000000e+00;
	v11 =	vmul.f32 v10, v55  }
0x5a: {  	vm5 =	veq.f32 v2, $0.0e+00;
	v12 =	vmul.f32 v10, v56;
	v5 =	vmul.f32 v10, v58  }
0x5b: {  	vm10 =	veq.f32 v2, $1.000000000e+00;
	v3 =	vmul.f32 v10, v7;
	v1 =	vmul.f32 v10, v8  }
0x5c: {  	vm15 =	veq.f32 v2, $2.000000000e+00;
	v60 =	vadd.f32 $0.0e+00, v11;
	v62 =	vnsel vm1, $0x0, v12  }
0x5d: {  	v63 =	vnsel vm4, $0x0, v5;
	v13 =	vnsel vm5, $0x0, v3;
	v14 =	vnsel vm6, $0x0, v1  }
0x5e: {  	v16 =	vnsel vm8, $0x0, v12;
	v17 =	vnsel vm9, $0x0, v5;
	v18 =	vnsel vm10, $0x0, v3  }
0x5f: {  	v19 =	vnsel vm11, $0x0, v1;
	v23 =	vnsel vm13, $0x0, v12;
	v24 =	vnsel vm14, $0x0, v5  }
0x60: {  	v25 =	vnsel vm15, $0x0, v3;
	vm4 =	veq.f32 v0, $2.000000000e+00;
	vm5 =	veq.f32 v9, $3.000000000e+00  }
0x61: {  	vm6 =	veq.f32 v6, $3.000000000e+00;
	vm8 =	veq.f32 v2, $3.000000000e+00;
	vm9 =	veq.f32 v0, $3.000000000e+00  }
0x62: {  	vm10 =	veq.f32 v9, $4.000000000e+00;
	vm11 =	veq.f32 v6, $4.000000000e+00;
	vm13 =	veq.f32 v2, $4.000000000e+00  }
0x63: {  	vm14 =	veq.f32 v0, $4.000000000e+00;
	vm15 =	veq.f32 v9, $5.000000000e+00;
	v26 =	vnsel vm4, $0x0, v1  }
0x64: {  	v28 =	vnsel vm6, $0x0, v12;
	v30 =	vnsel vm8, $0x0, v3;
	v31 =	vnsel vm9, $0x0, v1  }
0x65: {  	v33 =	vnsel vm11, $0x0, v12;
	v35 =	vnsel vm13, $0x0, v3;
	v36 =	vnsel vm14, $0x0, v1  }
0x66: {  	vm4 =	veq.f32 v6, $5.000000000e+00;
	vm6 =	veq.f32 v2, $5.000000000e+00;
	vm8 =	veq.f32 v9, $6.000000000e+00  }
0x67: {  	vm9 =	veq.f32 v6, $6.000000000e+00;
	vm11 =	veq.f32 v2, $6.000000000e+00;
	vm13 =	veq.f32 v6, $7.000000000e+00  }
0x68: {  	vm14 =	veq.f32 v0, $6.000000000e+00;
	v61 =	vnsel vm0, $0x0, v60;
	v15 =	vnsel vm7, $0x0, v60  }
0x69: {  	v20 =	vnsel vm12, $0x0, v60;
	v27 =	vnsel vm5, $0x0, v60;
	vm7 =	veq.f32 v59, $3.000000000e+00  }
0x6a: {  	v32 =	vnsel vm10, $0x0, v60;
	vm12 =	veq.f32 v59, $4.000000000e+00;
	v37 =	vnsel vm15, $0x0, v60  }
0x6b: {  	v38 =	vnsel vm4, $0x0, v12;
	vm5 =	veq.f32 v59, $5.000000000e+00;
	v40 =	vnsel vm6, $0x0, v3  }
0x6c: {  	v42 =	vnsel vm8, $0x0, v60;
	v43 =	vnsel vm9, $0x0, v12;
	vm10 =	veq.f32 v59, $6.000000000e+00  }
0x6d: {  	v45 =	vnsel vm11, $0x0, v3;
	v47 =	vnsel vm13, $0x0, v12;
	v48 =	vnsel vm14, $0x0, v1  }
0x6e: {  	vm15 =	veq.f32 v59, $7.000000000e+00;
	vm4 =	veq.f32 v2, $7.000000000e+00;
	vm6 =	veq.f32 v9, $8.000000000e+00  }
0x6f: {  	vm8 =	veq.f32 v6, $8.000000000e+00;
	vm9 =	veq.f32 v6, $9.000000000e+00;
	vm11 =	veq.f32 v59, $9.000000000e+00  }
0x70: {  	vm13 =	veq.f32 v2, $9.000000000e+00;
	v8 =	vadd.f32 v61, v62;
	v15 =	vadd.f32 v15, v16  }
0x71: {  	v29 =	vnsel vm7, $0x0, v5;
	v10 =	vadd.f32 v20, v23;
	v34 =	vnsel vm12, $0x0, v5  }
0x72: {  	v16 =	vadd.f32 v32, v33;
	v39 =	vnsel vm5, $0x0, v5;
	vm7 =	veq.f32 v0, $5.000000000e+00  }
0x73: {  	v44 =	vnsel vm10, $0x0, v5;
	vm12 =	veq.f32 v9, $7.000000000e+00;
	v49 =	vnsel vm15, $0x0, v5  }
0x74: {  	v52 =	vnsel vm6, $0x0, v60;
	v55 =	vnsel vm8, $0x0, v12;
	v57 =	vnsel vm9, $0x0, v12  }
0x75: {  	vm10 =	veq.f32 v59, $8.000000000e+00;
	v41 =	vnsel vm7, $0x0, v1;
	v46 =	vnsel vm12, $0x0, v60  }
0x76: {  	vm7 =	veq.f32 v9, $9.000000000e+00;
	v56 =	vadd.f32 v52, v55;
	v8 =	vadd.f32 v8, v63  }
0x77: {  	v15 =	vadd.f32 v15, v17;
	v10 =	vadd.f32 v10, v24;
	v7 =	vnsel vm7, $0x0, v60  }
0x78: {  	v58 =	vnsel vm10, $0x0, v5;
	v17 =	vadd.f32 v37, v38;
	v7 =	vadd.f32 v7, v57  }
0x79: {  	v5 =	vnsel vm11, $0x0, v5;
	v59 =	vadd.f32 v56, v58;
	v8 =	vadd.f32 v8, v13  }
0x7a: {  	vm12 =	veq.f32 v2, $8.000000000e+00;
	v15 =	vadd.f32 v15, v18;
	v13 =	vadd.f32 v27, v28  }
0x7b: {  	v60 =	vnsel vm12, $0x0, v3;
	v10 =	vadd.f32 v10, v25;
	v17 =	vadd.f32 v17, v39  }
0x7c: {  	vm14 =	veq.f32 v0, $8.000000000e+00;
	v5 =	vadd.f32 v7, v5;
	v61 =	vadd.f32 v59, v60  }
0x7d: {  	v50 =	vnsel vm4, $0x0, v3;
	v8 =	vadd.f32 v8, v14;
	v15 =	vadd.f32 v15, v19  }
0x7e: {  	v62 =	vnsel vm14, $0x0, v1;
	v13 =	vadd.f32 v13, v29;
	v10 =	vadd.f32 v10, v26  }
0x7f: {  	v3 =	vnsel vm13, $0x0, v3;
	v14 =	vadd.f32 v16, v34;
	v17 =	vadd.f32 v17, v40  }
0x80: {  	vm5 =	veq.f32 v0, $7.000000000e+00;
	v3 =	vadd.f32 v5, v3;
	v63 =	vadd.f32 v61, v62  }
0x81: {  	vm15 =	veq.f32 v0, $9.000000000e+00;
	v11 =	vadd.f32 v14, v35;
	v14 =	vadd.f32 v42, v43;
	[tilespmem:s30+$0x200] =	vst v8  }
0x82: {  	v51 =	vnsel vm5, $0x0, v1;
	v16 =	vadd.f32 v17, v41;
	v17 =	vadd.f32 v46, v47;
	[tilespmem:s30+$0x220] =	vst v15  }
0x83: {  	v1 =	vnsel vm15, $0x0, v1;
	v13 =	vadd.f32 v13, v30;
	[tilespmem:s30+$0x240] =	vst v10;
	v14 =	vadd.f32 v14, v44  }
0x84: {  	v1 =	vadd.f32 v3, v1;
	[tilespmem:s30+$0x300] =	vst v63;
	v17 =	vadd.f32 v17, v49  }
0x85: {  	p1 =	por p0, p0;
	v13 =	vadd.f32 v13, v31;
	[tilespmem:s30+$0x2A0] =	vst v16;
	v14 =	vadd.f32 v14, v45  }
.Ltmp0:
0x86: {  	v11 =	vadd.f32 v11, v36;
	[tilespmem:s30+$0x320] =	vst v1;
	v17 =	vadd.f32 v17, v50;
	(pc) =	sbr.rel @p1 .LBB2_2-.Ltmp0, $4  }
0x87: {  	[tilespmem:s30+$0x260] =	vst v13;
	v53 =	vadd.f32 v14, v48  }
0x88: {  	[tilespmem:s30+$0x280] =	vst v11;
	v54 =	vadd.f32 v17, v51  }
0x89: {  	[tilespmem:s30+$0x2C0] =	vst v53  }
0x8a: {  	p0 =	por $0x0, $0x0;
	[tilespmem:s30+$0x2E0] =	vst v54;
	s30 =	simm.s32 $0x10  }
0x8b: {  	s30 =	simm.s32 $0x200  }
0x8c: {  	[hbm4b:s13+s2] =	stream.linear.scatter [tilespmem:s30], [sflag:$0x1], $0x20, $0x38;
	[tilespmem:$0x380] =	vst v63  }
0x8d: {  	_ =	swait.ge [sflag:s24], $0x20  }
0x8e: {  	[sflag:s24] =	ssyncset.done $0x0  }
0x8f: {  	s31 =	simm.s32 $0x220;
	[sflag:s24] =	ssyncadd.s32 $0xFFFFFFE0  }
0x90: {  	[hbm4b:s14+s2] =	stream.linear.scatter [tilespmem:s31], [sflag:$0x1], $0x20, $0x38;
	[tilespmem:$0x380] =	vst v63  }
0x91: {  	_ =	swait.ge [sflag:s24], $0x20  }
0x92: {  	[sflag:s24] =	ssyncset.done $0x0  }
0x93: {  	s31 =	simm.s32 $0x240;
	[sflag:s24] =	ssyncadd.s32 $0xFFFFFFE0  }
0x94: {  	[hbm4b:s15+s2] =	stream.linear.scatter [tilespmem:s31], [sflag:$0x1], $0x20, $0x38;
	[tilespmem:$0x380] =	vst v63  }
0x95: {  	_ =	swait.ge [sflag:s24], $0x20  }
0x96: {  	[sflag:s24] =	ssyncset.done $0x0  }
0x97: {  	s31 =	simm.s32 $0x260;
	[sflag:s24] =	ssyncadd.s32 $0xFFFFFFE0  }
0x98: {  	[hbm4b:s16+s2] =	stream.linear.scatter [tilespmem:s31], [sflag:$0x1], $0x20, $0x38;
	[tilespmem:$0x380] =	vst v63  }
0x99: {  	_ =	swait.ge [sflag:s24], $0x20  }
0x9a: {  	[sflag:s24] =	ssyncset.done $0x0  }
0x9b: {  	s31 =	simm.s32 $0x280;
	[sflag:s24] =	ssyncadd.s32 $0xFFFFFFE0  }
0x9c: {  	[hbm4b:s17+s2] =	stream.linear.scatter [tilespmem:s31], [sflag:$0x1], $0x20, $0x38;
	[tilespmem:$0x380] =	vst v63  }
0x9d: {  	_ =	swait.ge [sflag:s24], $0x20  }
0x9e: {  	[sflag:s24] =	ssyncset.done $0x0  }
0x9f: {  	[sflag:s24] =	ssyncadd.s32 $0xFFFFFFE0  }
0xa0: {  	[hbm4b:s18+s2] =	stream.linear.scatter [tilespmem:s0], [sflag:$0x1], $0x20, $0x38;
	[tilespmem:$0x380] =	vst v63  }
0xa1: {  	_ =	swait.ge [sflag:s24], $0x20  }
0xa2: {  	[sflag:s24] =	ssyncset.done $0x0  }
0xa3: {  	[sflag:s24] =	ssyncadd.s32 $0xFFFFFFE0  }
0xa4: {  	[hbm4b:s19+s2] =	stream.linear.scatter [tilespmem:s1], [sflag:$0x1], $0x20, $0x38;
	[tilespmem:$0x380] =	vst v63  }
0xa5: {  	_ =	swait.ge [sflag:s24], $0x20  }
0xa6: {  	[sflag:s24] =	ssyncset.done $0x0  }
0xa7: {  	[sflag:s24] =	ssyncadd.s32 $0xFFFFFFE0  }
0xa8: {  	[hbm4b:s20+s2] =	stream.linear.scatter [tilespmem:s25], [sflag:$0x1], $0x20, $0x38;
	[tilespmem:$0x380] =	vst v63  }
0xa9: {  	_ =	swait.ge [sflag:s24], $0x20  }
0xaa: {  	[sflag:s24] =	ssyncset.done $0x0  }
0xab: {  	[sflag:s24] =	ssyncadd.s32 $0xFFFFFFE0  }
0xac: {  	[hbm4b:s21+s2] =	stream.linear.scatter [tilespmem:s26], [sflag:$0x1], $0x20, $0x38;
	[tilespmem:$0x380] =	vst v63  }
0xad: {  	s29 =	sadd.s32 $0x1, s29;
	_ =	swait.ge [sflag:s24], $0x20  }
0xae: {  	p0 =	sne.s32 s29, s23;
	[sflag:s24] =	ssyncset.done $0x0  }
.Ltmp1:
0xaf: {  	[sflag:s24] =	ssyncadd.s32 $0xFFFFFFE0;
	(pc) =	sbr.rel @p0 .LBB2_1-.Ltmp1, $4  }
0xb0: {  	[hbm4b:s22+s2] =	stream.linear.scatter [tilespmem:s28], [sflag:$0x1], $0x20, $0x38;
	[tilespmem:$0x380] =	vst v63  }
0xb1: {  	_ =	swait.ge [sflag:s24], $0x20  }
0xb2: {  	[sflag:s24] =	ssyncset.done $0x0  }
0xb3: {  	[sflag:s24] =	ssyncadd.s32 $0xFFFFFFE0  }
0xb4: {  	_ =	sfence.sel $0x180000  }
0xb5: {  	[bflag:$0x0] =	sbarrier.arrive $0xFFFF  }
0xb6: {  	_ =	strace $0x90000047  }
0xb7: {  	s0 =	stileid.u32;
	[bflag:$0x2] =	sbarrier.arrive $0xFFFF  }
0xb8: {  	p0 =	sne.s32 s0, $0x0;
	s0 =	rddreg [dreg:$0x2]  }
0xb9: {  	s0 =	sadd.s32 @!p0 $0x100000, s0  }
0xba: {  	[sflag:s0] =	ssyncadd.tile.s32 @!p0 $0x1;
	_ =	shalt  }
.Lfunc_end2:
_tile_overlayer_lowered:
.L_overlay_start_2:
0xbb: {  	(tag) =	ssettag $0x2  }
0xbc: {  	s0 =	rddreg [dreg:$0x0];
	s2 =	stileid.u32  }
0xbd: {  	s1 =	rddreg [dreg:$0x1];
	p0 =	sne.s32 s2, $0x0  }
0xbe: {  	s3 =	rddreg [dreg:$0x2];
	[bflag:$0x3] =	sbarrier.arrive $0xFFFF;
	s2 =	simm.s32 @!p0 $0x1C01  }
0xbf: {  	[timem:s3], [sflag:s2] =	dma.local @!p0 [hbm:s0], s1  }
0xc0: {  	s0 =	simm.s32 @!p0 $0x1  }
0xc1: {  	_ =	swait.ge @!p0 [sflag:s0], s1  }
0xc2: {  	s1 =	ssub.s32 @!p0 $0x0, s1;
	[sflag:s0] =	ssyncset.done @!p0 $0x0  }
0xc3: {  	[sflag:s0] =	ssyncadd.s32 @!p0 s1  }
0xc4: {  	[bflag:$0x3] =	sbarrier.arrive $0xFFFF  }
0xc5: {  	_ =	shalt  }

</sc_bundles>
